<compile_context>
chip_gen: v7x
topology: tpu7x:2x2x1
jax: 0.10.2.dev20260603
libtpu: 0.0.44.dev20260713+nightly
codegen_flags: <defaults>
</compile_context>

<pallas_src>
import functools

import jax
import jax.numpy as jnp
from jax import lax
from jax.experimental import pallas as pl
from jax.experimental.pallas import tpu as pltpu
from jax.experimental.pallas import tpu_sc as plsc

N = 10000
E = 320000
H = 128
G = 128
DOUT = 10

NW = 32
LANES = 128
ROWS_PER_W = 80
E_PAD = NW * ROWS_PER_W * LANES
N_PAD = 10240
TILE_ROWS = N_PAD // 16
DUMP_ROW = N
BLK = 1000



GROUPS = 2
CPG = ROWS_PER_W // GROUPS
ZROWS = 16


def _hop_body(h_hbm, scat_hbm, dst_hbm, zeros_hbm, out_hbm,
              scat_v, dst_v, rows_a, rows_b, zbuf, acc_sh, sem_a, sem_b):
    rows = (rows_a, rows_b)
    sems = (sem_a, sem_b)
    c = lax.axis_index("c")
    s = lax.axis_index("s")
    wid = s * 2 + c
    def stage(g):
        base = wid * ROWS_PER_W + g * CPG
        pltpu.sync_copy(scat_hbm.at[pl.ds(base, CPG)], scat_v)
        pltpu.sync_copy(dst_hbm.at[pl.ds(base, CPG)], dst_v)

    def fire(j, b):
        pltpu.async_copy(h_hbm.at[scat_v.at[j]], rows[b], sems[b])

    stage(0)
    fire(0, 0)
    fire(1, 1)

    pltpu.sync_copy(zeros_hbm, zbuf)

    @pl.loop(0, TILE_ROWS // ZROWS)
    def _(k):
        pltpu.sync_copy(zbuf, acc_sh.at[pl.ds(s * TILE_ROWS + k * ZROWS,
                                              ZROWS)])

    plsc.subcore_barrier()

    for g in range(GROUPS):
        if g:
            stage(g)
            fire(0, 0)
            fire(1, 1)

        @pl.loop(0, CPG // 2)
        def _(t):
            for b in range(2):
                j = t * 2 + b
                pltpu.make_async_copy(
                    h_hbm.at[scat_v.at[j]], rows[b], sems[b]).wait()
                pltpu.sync_copy(rows[b], acc_sh.at[dst_v.at[j]], add=True)

                @pl.when(j + 2 < CPG)
                def _():
                    fire(j + 2, b)

    plsc.subcore_barrier()
    pltpu.sync_copy(acc_sh.at[pl.ds(s * TILE_ROWS, TILE_ROWS)],
                    out_hbm.at[c, pl.ds(s * TILE_ROWS, TILE_ROWS)])


def _sc_hop(h, scat_rows, dst_rows, zeros_tile):
    mesh = plsc.VectorSubcoreMesh(core_axis_name="c", subcore_axis_name="s")
    return pl.kernel(
        _hop_body,
        out_type=jax.ShapeDtypeStruct((2, N_PAD, H), jnp.float32),
        mesh=mesh,
        scratch_types=[
            pltpu.VMEM((CPG, LANES), jnp.int32),
            pltpu.VMEM((CPG, LANES), jnp.int32),
            pltpu.VMEM((LANES, H), jnp.float32),
            pltpu.VMEM((LANES, H), jnp.float32),
            pltpu.VMEM((ZROWS, H), jnp.float32),
            pltpu.VMEM_SHARED((N_PAD, H), jnp.float32),
            pltpu.SemaphoreType.DMA,
            pltpu.SemaphoreType.DMA,
        ],
    )(h, scat_rows, dst_rows, zeros_tile)



_DOT = functools.partial(lax.dot_general,
                         dimension_numbers=(((1,), (0,)), ((), ())),
                         preferred_element_type=jnp.float32)


def _onehot(bv_ref):
    bv = bv_ref[0]
    gids = lax.broadcasted_iota(jnp.int32, (G, bv.shape[1]), 0)
    return jnp.where(bv == gids, 1.0, 0.0)


def _lin0_kernel(bv_ref, x_ref, w_ref, b_ref, o_ref, acc0_ref, cnt_ref,
                 accs, cnts, *, nblocks):
    i = pl.program_id(0)

    @pl.when(i == 0)
    def _():
        accs[...] = jnp.zeros_like(accs)
        cnts[...] = jnp.zeros_like(cnts)

    h = lax.dot_general(x_ref[...], w_ref[...], (((1,), (1,)), ((), ())),
                        preferred_element_type=jnp.float32) + b_ref[...]
    o_ref[...] = h
    s_mat = _onehot(bv_ref)
    accs[...] += _DOT(s_mat, h)
    cnts[...] += jnp.broadcast_to(
        jnp.sum(s_mat, axis=1, keepdims=True), cnts.shape)

    @pl.when(i == nblocks - 1)
    def _():
        acc0_ref[...] = accs[...]
        cnt_ref[...] = cnts[...]


def _lin0(bv3, x, w0, b0):
    nb = N // BLK
    return pl.pallas_call(
        functools.partial(_lin0_kernel, nblocks=nb),
        grid=(nb,),
        in_specs=[
            pl.BlockSpec((1, 1, BLK), lambda i: (i, 0, 0)),
            pl.BlockSpec((BLK, H), lambda i: (i, 0)),
            pl.BlockSpec((H, H), lambda i: (0, 0)),
            pl.BlockSpec((1, H), lambda i: (0, 0)),
        ],
        out_specs=[
            pl.BlockSpec((BLK, H), lambda i: (i, 0)),
            pl.BlockSpec((G, H), lambda i: (0, 0)),
            pl.BlockSpec((G, H), lambda i: (0, 0)),
        ],
        out_shape=[
            jax.ShapeDtypeStruct((N, H), jnp.float32),
            jax.ShapeDtypeStruct((G, H), jnp.float32),
            jax.ShapeDtypeStruct((G, H), jnp.float32),
        ],
        scratch_shapes=[
            pltpu.VMEM((G, H), jnp.float32),
            pltpu.VMEM((G, H), jnp.float32),
        ],
    )(bv3, x, w0, b0.reshape(1, H))


def _combine_kernel(bv_ref, a_ref, b_ref, o_ref, acc1_ref, accs, *, nblocks):
    i = pl.program_id(0)

    @pl.when(i == 0)
    def _():
        accs[...] = jnp.zeros_like(accs)

    hb = a_ref[0] + b_ref[0]
    o_ref[...] = hb
    accs[...] += _DOT(_onehot(bv_ref), hb)

    @pl.when(i == nblocks - 1)
    def _():
        acc1_ref[...] = accs[...]


def _combine(bv3, p):
    nb = N // BLK
    return pl.pallas_call(
        functools.partial(_combine_kernel, nblocks=nb),
        grid=(nb,),
        in_specs=[
            pl.BlockSpec((1, 1, BLK), lambda i: (i, 0, 0)),
            pl.BlockSpec((1, BLK, H), lambda i: (0, i, 0)),
            pl.BlockSpec((1, BLK, H), lambda i: (1, i, 0)),
        ],
        out_specs=[
            pl.BlockSpec((BLK, H), lambda i: (i, 0)),
            pl.BlockSpec((G, H), lambda i: (0, 0)),
        ],
        out_shape=[
            jax.ShapeDtypeStruct((N, H), jnp.float32),
            jax.ShapeDtypeStruct((G, H), jnp.float32),
        ],
        scratch_shapes=[pltpu.VMEM((G, H), jnp.float32)],
    )(bv3, p, p)


def _head_kernel(bv_ref, q0_ref, q1_ref, acc0_ref, acc1_ref, cnt_ref,
                 eps_ref, wpt_ref, bp_ref, o_ref, accs, *, nblocks):
    i = pl.program_id(0)

    @pl.when(i == 0)
    def _():
        accs[...] = jnp.zeros_like(accs)

    accs[...] += _DOT(_onehot(bv_ref), q0_ref[0] + q1_ref[0])

    @pl.when(i == nblocks - 1)
    def _():
        c = jnp.maximum(cnt_ref[...], 1.0)
        scale = 1.0 + eps_ref[...]
        pooled = jnp.concatenate(
            [acc0_ref[...] * scale / c,
             acc1_ref[...] / c,
             accs[...] / c], axis=1)
        o_ref[...] = lax.dot_general(
            pooled, wpt_ref[...], (((1,), (0,)), ((), ())),
            preferred_element_type=jnp.float32) + bp_ref[...]


def _head(bv3, q, acc0, acc1, cnt, eps_b, wpt, bp_pad):
    nb = N // BLK
    return pl.pallas_call(
        functools.partial(_head_kernel, nblocks=nb),
        grid=(nb,),
        in_specs=[
            pl.BlockSpec((1, 1, BLK), lambda i: (i, 0, 0)),
            pl.BlockSpec((1, BLK, H), lambda i: (0, i, 0)),
            pl.BlockSpec((1, BLK, H), lambda i: (1, i, 0)),
            pl.BlockSpec((G, H), lambda i: (0, 0)),
            pl.BlockSpec((G, H), lambda i: (0, 0)),
            pl.BlockSpec((G, H), lambda i: (0, 0)),
            pl.BlockSpec((1, H), lambda i: (0, 0)),
            pl.BlockSpec((3 * H, H), lambda i: (0, 0)),
            pl.BlockSpec((1, H), lambda i: (0, 0)),
        ],
        out_specs=pl.BlockSpec((G, H), lambda i: (0, 0)),
        out_shape=jax.ShapeDtypeStruct((G, H), jnp.float32),
        scratch_shapes=[pltpu.VMEM((G, H), jnp.float32)],
    )(bv3, q, q, acc0, acc1, cnt, eps_b, wpt, bp_pad)



def _pad_edges(scat, dst):
    pad = E_PAD - E
    r = jnp.arange(pad, dtype=jnp.int32)
    scat_p = jnp.concatenate(
        [scat, r % N]).reshape(E_PAD // LANES, LANES)
    dst_p = jnp.concatenate(
        [dst, DUMP_ROW + r % (N_PAD - N)]).reshape(E_PAD // LANES, LANES)
    return scat_p, dst_p


def kernel(x, agg_scatter_0, agg_node_index_0, agg_scatter_1,
           agg_node_index_1, batch_vec, eps, W0, b0, Wp, bp):
    bv3 = batch_vec.reshape(N // BLK, 1, BLK)
    h0, acc0, cnt = _lin0(bv3, x, W0, b0)

    zeros_tile = jnp.zeros((ZROWS, H), jnp.float32)
    s0, d0 = _pad_edges(agg_scatter_0, agg_node_index_0)
    s1, d1 = _pad_edges(agg_scatter_1, agg_node_index_1)

    p = _sc_hop(h0, s0, d0, zeros_tile)
    h1, acc1 = _combine(bv3, p)
    q = _sc_hop(h1, s1, d1, zeros_tile)

    eps_b = jnp.broadcast_to(eps.reshape(1, 1), (1, H))
    wpt = jnp.pad(Wp.T, ((0, 0), (0, H - DOUT)))
    bp_pad = jnp.pad(bp, (0, H - DOUT)).reshape(1, H)

    pred_pad = _head(bv3, q, acc0, acc1, cnt, eps_b, wpt, bp_pad)
    return pred_pad[:, :DOUT]

# --- scband reference (transcript-rebuilt; emitter-appended) ---
"""Pipeline reference for scband-local-wlgnn-42829413875734 (READ-ONLY COPY).

The authoritative reference and input builder live on the scoring server;
editing this copy changes nothing except your own understanding.
"""

import jax, jax.numpy as jnp
import numpy as np

N = 10000      # nodes
E = 320000     # edges (per hop index arrays)
D = 128        # input feature dim (dim_in)
H = 128        # dim_inner
HOPS = 2
G = 128        # number of graphs in the batch
DOUT = 10      # graph-level output classes


def setup_inputs(seed: int = 0) -> dict:
    key = jax.random.key(seed)
    ks = jax.random.split(key, 12)
    x = jax.random.normal(ks[0], (N, D), dtype=jnp.float32)
    agg_scatter_0 = jax.random.randint(ks[1], (E,), 0, N, dtype=jnp.int32)
    agg_node_index_0 = jax.random.randint(ks[2], (E,), 0, N, dtype=jnp.int32)
    agg_scatter_1 = jax.random.randint(ks[3], (E,), 0, N, dtype=jnp.int32)
    agg_node_index_1 = jax.random.randint(ks[4], (E,), 0, N, dtype=jnp.int32)
    batch_vec = jnp.sort(jax.random.randint(ks[5], (N,), 0, G, dtype=jnp.int32))
    # learned parameters
    eps = jnp.ones((1,), dtype=jnp.float32)
    W0 = jax.random.normal(ks[6], (H, D), dtype=jnp.float32) * (1.0 / np.sqrt(D))
    b0 = jnp.zeros((H,), dtype=jnp.float32)
    Wp = jax.random.normal(ks[7], (DOUT, H * (HOPS + 1)), dtype=jnp.float32) * (1.0 / np.sqrt(H * (HOPS + 1)))
    bp = jnp.zeros((DOUT,), dtype=jnp.float32)
    return {
        'x': x,
        'agg_scatter_0': agg_scatter_0,
        'agg_node_index_0': agg_node_index_0,
        'agg_scatter_1': agg_scatter_1,
        'agg_node_index_1': agg_node_index_1,
        'batch_vec': batch_vec,
        'eps': eps,
        'W0': W0,
        'b0': b0,
        'Wp': Wp,
        'bp': bp,
    }


def reference(x, agg_scatter_0, agg_node_index_0, agg_scatter_1, agg_node_index_1, batch_vec, eps, W0, b0, Wp, bp):
    # x = self.lins[0](x)  (note: lins[1..hops] are created but unused in the original forward)
    h0 = x @ W0.T + b0
    # out = (1 + eps) * x
    out = (1.0 + eps) * h0
    h = h0
    for scat, idx in ((agg_scatter_0, agg_node_index_0), (agg_scatter_1, agg_node_index_1)):
        # h = h[agg_scatter[hop-1]]  -> gather
        h = jnp.take(h, scat, axis=0)
        # scatter_reduce(0, agg_node_index, h, reduce='sum', include_self=False) onto zeros[N, H]
        h = jax.ops.segment_sum(h, idx, num_segments=N)
        out = jnp.concatenate([out, h], axis=1)
    # dropout p=0.0 / eval mode -> identity
    # global mean pool over graphs
    seg = jax.ops.segment_sum(out, batch_vec, num_segments=G)
    cnt = jax.ops.segment_sum(jnp.ones((N,), dtype=jnp.float32), batch_vec, num_segments=G)
    pooled = seg / jnp.maximum(cnt, 1.0)[:, None]
    # post_mp: single Linear(H*(hops+1) -> dim_out)
    pred = pooled @ Wp.T + bp
    return pred

if __name__ == "__main__":
    import jax
    _d = setup_inputs()
    print(jax.jit(kernel)(*tuple(_d.values())))

</pallas_src>

<mosaic_0001>
#map = affine_map<(d0, d1) -> (0, 0)>
#map1 = affine_map<(d0, d1) -> (0, 0, 0)>
module attributes {stable_mosaic.version = 14 : i64} {
  func.func @_hop_body(%arg0: i32, %arg1: i32, %arg2: memref<10000x128xf32, #tpu.memory_space<hbm>>, %arg3: memref<2560x128xi32, #tpu.memory_space<hbm>>, %arg4: memref<2560x128xi32, #tpu.memory_space<hbm>>, %arg5: memref<16x128xf32, #tpu.memory_space<hbm>>, %arg6: memref<2x10240x128xf32, #tpu.memory_space<hbm>>, %arg7: memref<40x128xi32, #tpu.memory_space<vmem>>, %arg8: memref<40x128xi32, #tpu.memory_space<vmem>>, %arg9: memref<128x128xf32, #tpu.memory_space<vmem>>, %arg10: memref<128x128xf32, #tpu.memory_space<vmem>>, %arg11: memref<16x128xf32, #tpu.memory_space<vmem>>, %arg12: memref<10240x128xf32, #tpu.memory_space<vmem_shared>>, %arg13: memref<!tpu.dma_semaphore, #tpu.memory_space<semaphore_mem>>, %arg14: memref<!tpu.dma_semaphore, #tpu.memory_space<semaphore_mem>>) attributes {dimension_semantics = [#tpu.dimension_semantics<core_parallel>, #tpu.dimension_semantics<subcore_parallel>], iteration_bounds = array<i64: 2, 16>, scalar_prefetch = 0 : i64, scratch_operands = 8 : i64, tpu.core_type = #tpu.core_type<sc_vector_subcore>, window_params = [{transform_indices = #map}, {transform_indices = #map}, {transform_indices = #map}, {transform_indices = #map}, {transform_indices = #map1}]} {
    %mul3A = arith.constant 2 : i32
    %mul3A_0 = arith.muli %arg1, %mul3A : i32
    %add3A = arith.addi %mul3A_0, %arg0 : i32
    %mul3A_1 = arith.constant 80 : i32
    %mul3A_2 = arith.muli %add3A, %mul3A_1 : i32
    %add3A_3 = arith.constant 0 : i32
    %add3A_4 = arith.addi %mul3A_2, %add3A_3 : i32
    "tpu.region"() ({
      %run_scoped3A = tpu.sem_alloc : memref<!tpu.dma_semaphore, #tpu.memory_space<semaphore_mem>>
      %dma_start3A_55 = arith.constant 0 : i32
      %dma_start3A_56 = tpu.memref_slice %arg3[%add3A_4, %dma_start3A_55] : memref<2560x128xi32, #tpu.memory_space<hbm>> -> memref<40x128xi32, #tpu.memory_space<hbm>>
      %dma_start3A_57 = arith.constant 0 : i32
      %dma_start3A_58 = tpu.memref_slice %arg3[%add3A_4, %dma_start3A_57] : memref<2560x128xi32, #tpu.memory_space<hbm>> -> memref<40x128xi32, #tpu.memory_space<hbm>>
      tpu.enqueue_dma source(%dma_start3A_58 : memref<40x128xi32, #tpu.memory_space<hbm>>) target(%arg7 : memref<40x128xi32, #tpu.memory_space<vmem>>) target_semaphore(%run_scoped3A : memref<!tpu.dma_semaphore, #tpu.memory_space<semaphore_mem>>)
      %dma_wait3A = arith.constant 0 : i32
      %dma_wait3A_59 = tpu.memref_slice %arg3[%add3A_4, %dma_wait3A] : memref<2560x128xi32, #tpu.memory_space<hbm>> -> memref<40x128xi32, #tpu.memory_space<hbm>>
      %dma_wait3A_60 = arith.constant 0 : i32
      %dma_wait3A_61 = tpu.memref_slice %arg3[%add3A_4, %dma_wait3A_60] : memref<2560x128xi32, #tpu.memory_space<hbm>> -> memref<40x128xi32, #tpu.memory_space<hbm>>
      tpu.wait_dma2 semaphore(%run_scoped3A : memref<!tpu.dma_semaphore, #tpu.memory_space<semaphore_mem>>) src(%dma_wait3A_61 : memref<40x128xi32, #tpu.memory_space<hbm>>) dst(%arg7 : memref<40x128xi32, #tpu.memory_space<vmem>>)
      tpu.yield
    }) : () -> ()
    "tpu.region"() ({
      %run_scoped3A = tpu.sem_alloc : memref<!tpu.dma_semaphore, #tpu.memory_space<semaphore_mem>>
      %dma_start3A_55 = arith.constant 0 : i32
      %dma_start3A_56 = tpu.memref_slice %arg4[%add3A_4, %dma_start3A_55] : memref<2560x128xi32, #tpu.memory_space<hbm>> -> memref<40x128xi32, #tpu.memory_space<hbm>>
      %dma_start3A_57 = arith.constant 0 : i32
      %dma_start3A_58 = tpu.memref_slice %arg4[%add3A_4, %dma_start3A_57] : memref<2560x128xi32, #tpu.memory_space<hbm>> -> memref<40x128xi32, #tpu.memory_space<hbm>>
      tpu.enqueue_dma source(%dma_start3A_58 : memref<40x128xi32, #tpu.memory_space<hbm>>) target(%arg8 : memref<40x128xi32, #tpu.memory_space<vmem>>) target_semaphore(%run_scoped3A : memref<!tpu.dma_semaphore, #tpu.memory_space<semaphore_mem>>)
      %dma_wait3A = arith.constant 0 : i32
      %dma_wait3A_59 = tpu.memref_slice %arg4[%add3A_4, %dma_wait3A] : memref<2560x128xi32, #tpu.memory_space<hbm>> -> memref<40x128xi32, #tpu.memory_space<hbm>>
      %dma_wait3A_60 = arith.constant 0 : i32
      %dma_wait3A_61 = tpu.memref_slice %arg4[%add3A_4, %dma_wait3A_60] : memref<2560x128xi32, #tpu.memory_space<hbm>> -> memref<40x128xi32, #tpu.memory_space<hbm>>
      tpu.wait_dma2 semaphore(%run_scoped3A : memref<!tpu.dma_semaphore, #tpu.memory_space<semaphore_mem>>) src(%dma_wait3A_61 : memref<40x128xi32, #tpu.memory_space<hbm>>) dst(%arg8 : memref<40x128xi32, #tpu.memory_space<vmem>>)
      tpu.yield
    }) : () -> ()
    %dma_start3A = arith.constant 0 : i32
    %dma_start3A_5 = arith.constant 0 : i32
    %dma_start3A_6 = tpu.memref_slice %arg7[%dma_start3A, %dma_start3A_5] : memref<40x128xi32, #tpu.memory_space<vmem>> -> memref<1x128xi32, #tpu.memory_space<vmem>>
    %dma_start3A_7 = tpu.memref_squeeze %dma_start3A_6 : memref<1x128xi32, #tpu.memory_space<vmem>> -> memref<128xi32, #tpu.memory_space<vmem>>
    %dma_start3A_8 = arith.constant 0 : i32
    %dma_start3A_9 = arith.constant 0 : i32
    %dma_start3A_10 = tpu.memref_slice %arg2[%dma_start3A_8, %dma_start3A_9] : memref<10000x128xf32, #tpu.memory_space<hbm>> -> memref<10000x128xf32, #tpu.memory_space<hbm>>
    tpu.enqueue_indirect_dma source(%dma_start3A_10 : memref<10000x128xf32, #tpu.memory_space<hbm>>) target(%arg9 : memref<128x128xf32, #tpu.memory_space<vmem>>) offsets(%dma_start3A_7 : memref<128xi32, #tpu.memory_space<vmem>>) semaphore(%arg13 : memref<!tpu.dma_semaphore, #tpu.memory_space<semaphore_mem>>)
    %dma_start3A_11 = arith.constant 1 : i32
    %dma_start3A_12 = arith.constant 0 : i32
    %dma_start3A_13 = tpu.memref_slice %arg7[%dma_start3A_11, %dma_start3A_12] : memref<40x128xi32, #tpu.memory_space<vmem>> -> memref<1x128xi32, #tpu.memory_space<vmem>>
    %dma_start3A_14 = tpu.memref_squeeze %dma_start3A_13 : memref<1x128xi32, #tpu.memory_space<vmem>> -> memref<128xi32, #tpu.memory_space<vmem>>
    %dma_start3A_15 = arith.constant 0 : i32
    %dma_start3A_16 = arith.constant 0 : i32
    %dma_start3A_17 = tpu.memref_slice %arg2[%dma_start3A_15, %dma_start3A_16] : memref<10000x128xf32, #tpu.memory_space<hbm>> -> memref<10000x128xf32, #tpu.memory_space<hbm>>
    tpu.enqueue_indirect_dma source(%dma_start3A_17 : memref<10000x128xf32, #tpu.memory_space<hbm>>) target(%arg10 : memref<128x128xf32, #tpu.memory_space<vmem>>) offsets(%dma_start3A_14 : memref<128xi32, #tpu.memory_space<vmem>>) semaphore(%arg14 : memref<!tpu.dma_semaphore, #tpu.memory_space<semaphore_mem>>)
    "tpu.region"() ({
      %run_scoped3A = tpu.sem_alloc : memref<!tpu.dma_semaphore, #tpu.memory_space<semaphore_mem>>
      tpu.enqueue_dma source(%arg5 : memref<16x128xf32, #tpu.memory_space<hbm>>) target(%arg11 : memref<16x128xf32, #tpu.memory_space<vmem>>) target_semaphore(%run_scoped3A : memref<!tpu.dma_semaphore, #tpu.memory_space<semaphore_mem>>)
      tpu.wait_dma2 semaphore(%run_scoped3A : memref<!tpu.dma_semaphore, #tpu.memory_space<semaphore_mem>>) src(%arg5 : memref<16x128xf32, #tpu.memory_space<hbm>>) dst(%arg11 : memref<16x128xf32, #tpu.memory_space<vmem>>)
      tpu.yield
    }) : () -> ()
    %scan3A = arith.constant 0 : i32
    %scan3A_18 = arith.constant 40 : i32
    %scan3A_19 = arith.addi %scan3A, %scan3A_18 : i32
    %scan3A_20 = arith.constant 1 : i32
    scf.for %scan3A_55 = %scan3A to %scan3A_19 step %scan3A_20  : i32 {
      %mul3A_56 = arith.constant 1 : i32
      %mul3A_57 = arith.muli %scan3A_55, %mul3A_56 : i32
      %add3A_58 = arith.constant 0 : i32
      %add3A_59 = arith.addi %add3A_58, %mul3A_57 : i32
      %mul3A_60 = arith.constant 640 : i32
      %mul3A_61 = arith.muli %arg1, %mul3A_60 : i32
      %mul3A_62 = arith.constant 16 : i32
      %mul3A_63 = arith.muli %add3A_59, %mul3A_62 : i32
      %add3A_64 = arith.addi %mul3A_61, %mul3A_63 : i32
      "tpu.region"() ({
        %run_scoped3A = tpu.sem_alloc : memref<!tpu.dma_semaphore, #tpu.memory_space<semaphore_mem>>
        %dma_start3A_65 = arith.constant 0 : i32
        %dma_start3A_66 = tpu.memref_slice %arg12[%add3A_64, %dma_start3A_65] : memref<10240x128xf32, #tpu.memory_space<vmem_shared>> -> memref<16x128xf32, #tpu.memory_space<vmem_shared>>
        %dma_start3A_67 = arith.constant 0 : i32
        %dma_start3A_68 = tpu.memref_slice %arg12[%add3A_64, %dma_start3A_67] : memref<10240x128xf32, #tpu.memory_space<vmem_shared>> -> memref<16x128xf32, #tpu.memory_space<vmem_shared>>
        tpu.enqueue_dma source(%arg11 : memref<16x128xf32, #tpu.memory_space<vmem>>) target(%dma_start3A_68 : memref<16x128xf32, #tpu.memory_space<vmem_shared>>) target_semaphore(%run_scoped3A : memref<!tpu.dma_semaphore, #tpu.memory_space<semaphore_mem>>)
        %dma_wait3A = arith.constant 0 : i32
        %dma_wait3A_69 = tpu.memref_slice %arg12[%add3A_64, %dma_wait3A] : memref<10240x128xf32, #tpu.memory_space<vmem_shared>> -> memref<16x128xf32, #tpu.memory_space<vmem_shared>>
        %dma_wait3A_70 = arith.constant 0 : i32
        %dma_wait3A_71 = tpu.memref_slice %arg12[%add3A_64, %dma_wait3A_70] : memref<10240x128xf32, #tpu.memory_space<vmem_shared>> -> memref<16x128xf32, #tpu.memory_space<vmem_shared>>
        tpu.wait_dma2 semaphore(%run_scoped3A : memref<!tpu.dma_semaphore, #tpu.memory_space<semaphore_mem>>) src(%arg11 : memref<16x128xf32, #tpu.memory_space<vmem>>) dst(%dma_wait3A_71 : memref<16x128xf32, #tpu.memory_space<vmem_shared>>)
        tpu.yield
      }) : () -> ()
    }
    %scan3A_21 = arith.constant 40 : i32
    %barrier3A = arith.constant 0 : index
    tpu.barrier barrier_id(%barrier3A)
    %scan3A_22 = arith.constant 0 : i32
    %scan3A_23 = arith.constant 20 : i32
    %scan3A_24 = arith.addi %scan3A_22, %scan3A_23 : i32
    %scan3A_25 = arith.constant 1 : i32
    scf.for %scan3A_55 = %scan3A_22 to %scan3A_24 step %scan3A_25  : i32 {
      %mul3A_56 = arith.constant 1 : i32
      %mul3A_57 = arith.muli %scan3A_55, %mul3A_56 : i32
      %add3A_58 = arith.constant 0 : i32
      %add3A_59 = arith.addi %add3A_58, %mul3A_57 : i32
      %mul3A_60 = arith.constant 2 : i32
      %mul3A_61 = arith.muli %add3A_59, %mul3A_60 : i32
      %add3A_62 = arith.constant 0 : i32
      %add3A_63 = arith.addi %mul3A_61, %add3A_62 : i32
      %dma_wait3A = arith.constant 0 : i32
      %dma_wait3A_64 = tpu.memref_slice %arg7[%add3A_63, %dma_wait3A] : memref<40x128xi32, #tpu.memory_space<vmem>> -> memref<1x128xi32, #tpu.memory_space<vmem>>
      %dma_wait3A_65 = tpu.memref_squeeze %dma_wait3A_64 : memref<1x128xi32, #tpu.memory_space<vmem>> -> memref<128xi32, #tpu.memory_space<vmem>>
      %dma_wait3A_66 = arith.constant 0 : i32
      %dma_wait3A_67 = arith.constant 0 : i32
      %dma_wait3A_68 = tpu.memref_slice %arg2[%dma_wait3A_66, %dma_wait3A_67] : memref<10000x128xf32, #tpu.memory_space<hbm>> -> memref<10000x128xf32, #tpu.memory_space<hbm>>
      tpu.wait_indirect_dma semaphore(%arg13 : memref<!tpu.dma_semaphore, #tpu.memory_space<semaphore_mem>>) src(%dma_wait3A_68 : memref<10000x128xf32, #tpu.memory_space<hbm>>) dst(%arg9 : memref<128x128xf32, #tpu.memory_space<vmem>>)
      "tpu.region"() ({
        %run_scoped3A = tpu.sem_alloc : memref<!tpu.dma_semaphore, #tpu.memory_space<semaphore_mem>>
        %dma_start3A_90 = arith.constant 0 : i32
        %dma_start3A_91 = tpu.memref_slice %arg8[%add3A_63, %dma_start3A_90] : memref<40x128xi32, #tpu.memory_space<vmem>> -> memref<1x128xi32, #tpu.memory_space<vmem>>
        %dma_start3A_92 = tpu.memref_squeeze %dma_start3A_91 : memref<1x128xi32, #tpu.memory_space<vmem>> -> memref<128xi32, #tpu.memory_space<vmem>>
        %dma_start3A_93 = arith.constant 0 : i32
        %dma_start3A_94 = arith.constant 0 : i32
        %dma_start3A_95 = tpu.memref_slice %arg12[%dma_start3A_93, %dma_start3A_94] : memref<10240x128xf32, #tpu.memory_space<vmem_shared>> -> memref<10240x128xf32, #tpu.memory_space<vmem_shared>>
        tpu.enqueue_indirect_dma source(%arg9 : memref<128x128xf32, #tpu.memory_space<vmem>>) target(%dma_start3A_95 : memref<10240x128xf32, #tpu.memory_space<vmem_shared>>) offsets(%dma_start3A_92 : memref<128xi32, #tpu.memory_space<vmem>>) semaphore(%run_scoped3A : memref<!tpu.dma_semaphore, #tpu.memory_space<semaphore_mem>>) {add = true}
        %dma_wait3A_96 = arith.constant 0 : i32
        %dma_wait3A_97 = tpu.memref_slice %arg8[%add3A_63, %dma_wait3A_96] : memref<40x128xi32, #tpu.memory_space<vmem>> -> memref<1x128xi32, #tpu.memory_space<vmem>>
        %dma_wait3A_98 = tpu.memref_squeeze %dma_wait3A_97 : memref<1x128xi32, #tpu.memory_space<vmem>> -> memref<128xi32, #tpu.memory_space<vmem>>
        %dma_wait3A_99 = arith.constant 0 : i32
        %dma_wait3A_100 = arith.constant 0 : i32
        %dma_wait3A_101 = tpu.memref_slice %arg12[%dma_wait3A_99, %dma_wait3A_100] : memref<10240x128xf32, #tpu.memory_space<vmem_shared>> -> memref<10240x128xf32, #tpu.memory_space<vmem_shared>>
        tpu.wait_indirect_dma semaphore(%run_scoped3A : memref<!tpu.dma_semaphore, #tpu.memory_space<semaphore_mem>>) src(%arg9 : memref<128x128xf32, #tpu.memory_space<vmem>>) dst(%dma_wait3A_101 : memref<10240x128xf32, #tpu.memory_space<vmem_shared>>)
        tpu.yield
      }) : () -> ()
      %add3A_69 = arith.constant 2 : i32
      %add3A_70 = arith.addi %add3A_63, %add3A_69 : i32
      %lt3A = arith.constant 40 : i32
      %lt3A_71 = arith.cmpi slt, %add3A_70, %lt3A : i32
      %convert_element_type3A = arith.extui %lt3A_71 : i1 to i32
      %cond3A = arith.constant 0 : i32
      %cond3A_72 = arith.cmpi ne, %convert_element_type3A, %cond3A : i32
      scf.if %cond3A_72 {
        %add3A_90 = arith.constant 2 : i32
        %add3A_91 = arith.addi %add3A_63, %add3A_90 : i32
        %dma_start3A_92 = arith.constant 0 : i32
        %dma_start3A_93 = tpu.memref_slice %arg7[%add3A_91, %dma_start3A_92] : memref<40x128xi32, #tpu.memory_space<vmem>> -> memref<1x128xi32, #tpu.memory_space<vmem>>
        %dma_start3A_94 = tpu.memref_squeeze %dma_start3A_93 : memref<1x128xi32, #tpu.memory_space<vmem>> -> memref<128xi32, #tpu.memory_space<vmem>>
        %dma_start3A_95 = arith.constant 0 : i32
        %dma_start3A_96 = arith.constant 0 : i32
        %dma_start3A_97 = tpu.memref_slice %arg2[%dma_start3A_95, %dma_start3A_96] : memref<10000x128xf32, #tpu.memory_space<hbm>> -> memref<10000x128xf32, #tpu.memory_space<hbm>>
        tpu.enqueue_indirect_dma source(%dma_start3A_97 : memref<10000x128xf32, #tpu.memory_space<hbm>>) target(%arg9 : memref<128x128xf32, #tpu.memory_space<vmem>>) offsets(%dma_start3A_94 : memref<128xi32, #tpu.memory_space<vmem>>) semaphore(%arg13 : memref<!tpu.dma_semaphore, #tpu.memory_space<semaphore_mem>>)
      } else {
      }
      %mul3A_73 = arith.constant 2 : i32
      %mul3A_74 = arith.muli %add3A_59, %mul3A_73 : i32
      %add3A_75 = arith.constant 1 : i32
      %add3A_76 = arith.addi %mul3A_74, %add3A_75 : i32
      %dma_wait3A_77 = arith.constant 0 : i32
      %dma_wait3A_78 = tpu.memref_slice %arg7[%add3A_76, %dma_wait3A_77] : memref<40x128xi32, #tpu.memory_space<vmem>> -> memref<1x128xi32, #tpu.memory_space<vmem>>
      %dma_wait3A_79 = tpu.memref_squeeze %dma_wait3A_78 : memref<1x128xi32, #tpu.memory_space<vmem>> -> memref<128xi32, #tpu.memory_space<vmem>>
      %dma_wait3A_80 = arith.constant 0 : i32
      %dma_wait3A_81 = arith.constant 0 : i32
      %dma_wait3A_82 = tpu.memref_slice %arg2[%dma_wait3A_80, %dma_wait3A_81] : memref<10000x128xf32, #tpu.memory_space<hbm>> -> memref<10000x128xf32, #tpu.memory_space<hbm>>
      tpu.wait_indirect_dma semaphore(%arg14 : memref<!tpu.dma_semaphore, #tpu.memory_space<semaphore_mem>>) src(%dma_wait3A_82 : memref<10000x128xf32, #tpu.memory_space<hbm>>) dst(%arg10 : memref<128x128xf32, #tpu.memory_space<vmem>>)
      "tpu.region"() ({
        %run_scoped3A = tpu.sem_alloc : memref<!tpu.dma_semaphore, #tpu.memory_space<semaphore_mem>>
        %dma_start3A_90 = arith.constant 0 : i32
        %dma_start3A_91 = tpu.memref_slice %arg8[%add3A_76, %dma_start3A_90] : memref<40x128xi32, #tpu.memory_space<vmem>> -> memref<1x128xi32, #tpu.memory_space<vmem>>
        %dma_start3A_92 = tpu.memref_squeeze %dma_start3A_91 : memref<1x128xi32, #tpu.memory_space<vmem>> -> memref<128xi32, #tpu.memory_space<vmem>>
        %dma_start3A_93 = arith.constant 0 : i32
        %dma_start3A_94 = arith.constant 0 : i32
        %dma_start3A_95 = tpu.memref_slice %arg12[%dma_start3A_93, %dma_start3A_94] : memref<10240x128xf32, #tpu.memory_space<vmem_shared>> -> memref<10240x128xf32, #tpu.memory_space<vmem_shared>>
        tpu.enqueue_indirect_dma source(%arg10 : memref<128x128xf32, #tpu.memory_space<vmem>>) target(%dma_start3A_95 : memref<10240x128xf32, #tpu.memory_space<vmem_shared>>) offsets(%dma_start3A_92 : memref<128xi32, #tpu.memory_space<vmem>>) semaphore(%run_scoped3A : memref<!tpu.dma_semaphore, #tpu.memory_space<semaphore_mem>>) {add = true}
        %dma_wait3A_96 = arith.constant 0 : i32
        %dma_wait3A_97 = tpu.memref_slice %arg8[%add3A_76, %dma_wait3A_96] : memref<40x128xi32, #tpu.memory_space<vmem>> -> memref<1x128xi32, #tpu.memory_space<vmem>>
        %dma_wait3A_98 = tpu.memref_squeeze %dma_wait3A_97 : memref<1x128xi32, #tpu.memory_space<vmem>> -> memref<128xi32, #tpu.memory_space<vmem>>
        %dma_wait3A_99 = arith.constant 0 : i32
        %dma_wait3A_100 = arith.constant 0 : i32
        %dma_wait3A_101 = tpu.memref_slice %arg12[%dma_wait3A_99, %dma_wait3A_100] : memref<10240x128xf32, #tpu.memory_space<vmem_shared>> -> memref<10240x128xf32, #tpu.memory_space<vmem_shared>>
        tpu.wait_indirect_dma semaphore(%run_scoped3A : memref<!tpu.dma_semaphore, #tpu.memory_space<semaphore_mem>>) src(%arg10 : memref<128x128xf32, #tpu.memory_space<vmem>>) dst(%dma_wait3A_101 : memref<10240x128xf32, #tpu.memory_space<vmem_shared>>)
        tpu.yield
      }) : () -> ()
      %add3A_83 = arith.constant 2 : i32
      %add3A_84 = arith.addi %add3A_76, %add3A_83 : i32
      %lt3A_85 = arith.constant 40 : i32
      %lt3A_86 = arith.cmpi slt, %add3A_84, %lt3A_85 : i32
      %convert_element_type3A_87 = arith.extui %lt3A_86 : i1 to i32
      %cond3A_88 = arith.constant 0 : i32
      %cond3A_89 = arith.cmpi ne, %convert_element_type3A_87, %cond3A_88 : i32
      scf.if %cond3A_89 {
        %add3A_90 = arith.constant 2 : i32
        %add3A_91 = arith.addi %add3A_76, %add3A_90 : i32
        %dma_start3A_92 = arith.constant 0 : i32
        %dma_start3A_93 = tpu.memref_slice %arg7[%add3A_91, %dma_start3A_92] : memref<40x128xi32, #tpu.memory_space<vmem>> -> memref<1x128xi32, #tpu.memory_space<vmem>>
        %dma_start3A_94 = tpu.memref_squeeze %dma_start3A_93 : memref<1x128xi32, #tpu.memory_space<vmem>> -> memref<128xi32, #tpu.memory_space<vmem>>
        %dma_start3A_95 = arith.constant 0 : i32
        %dma_start3A_96 = arith.constant 0 : i32
        %dma_start3A_97 = tpu.memref_slice %arg2[%dma_start3A_95, %dma_start3A_96] : memref<10000x128xf32, #tpu.memory_space<hbm>> -> memref<10000x128xf32, #tpu.memory_space<hbm>>
        tpu.enqueue_indirect_dma source(%dma_start3A_97 : memref<10000x128xf32, #tpu.memory_space<hbm>>) target(%arg10 : memref<128x128xf32, #tpu.memory_space<vmem>>) offsets(%dma_start3A_94 : memref<128xi32, #tpu.memory_space<vmem>>) semaphore(%arg14 : memref<!tpu.dma_semaphore, #tpu.memory_space<semaphore_mem>>)
      } else {
      }
    }
    %scan3A_26 = arith.constant 20 : i32
    %mul3A_27 = arith.constant 80 : i32
    %mul3A_28 = arith.muli %add3A, %mul3A_27 : i32
    %add3A_29 = arith.constant 40 : i32
    %add3A_30 = arith.addi %mul3A_28, %add3A_29 : i32
    "tpu.region"() ({
      %run_scoped3A = tpu.sem_alloc : memref<!tpu.dma_semaphore, #tpu.memory_space<semaphore_mem>>
      %dma_start3A_55 = arith.constant 0 : i32
      %dma_start3A_56 = tpu.memref_slice %arg3[%add3A_30, %dma_start3A_55] : memref<2560x128xi32, #tpu.memory_space<hbm>> -> memref<40x128xi32, #tpu.memory_space<hbm>>
      %dma_start3A_57 = arith.constant 0 : i32
      %dma_start3A_58 = tpu.memref_slice %arg3[%add3A_30, %dma_start3A_57] : memref<2560x128xi32, #tpu.memory_space<hbm>> -> memref<40x128xi32, #tpu.memory_space<hbm>>
      tpu.enqueue_dma source(%dma_start3A_58 : memref<40x128xi32, #tpu.memory_space<hbm>>) target(%arg7 : memref<40x128xi32, #tpu.memory_space<vmem>>) target_semaphore(%run_scoped3A : memref<!tpu.dma_semaphore, #tpu.memory_space<semaphore_mem>>)
      %dma_wait3A = arith.constant 0 : i32
      %dma_wait3A_59 = tpu.memref_slice %arg3[%add3A_30, %dma_wait3A] : memref<2560x128xi32, #tpu.memory_space<hbm>> -> memref<40x128xi32, #tpu.memory_space<hbm>>
      %dma_wait3A_60 = arith.constant 0 : i32
      %dma_wait3A_61 = tpu.memref_slice %arg3[%add3A_30, %dma_wait3A_60] : memref<2560x128xi32, #tpu.memory_space<hbm>> -> memref<40x128xi32, #tpu.memory_space<hbm>>
      tpu.wait_dma2 semaphore(%run_scoped3A : memref<!tpu.dma_semaphore, #tpu.memory_space<semaphore_mem>>) src(%dma_wait3A_61 : memref<40x128xi32, #tpu.memory_space<hbm>>) dst(%arg7 : memref<40x128xi32, #tpu.memory_space<vmem>>)
      tpu.yield
    }) : () -> ()
    "tpu.region"() ({
      %run_scoped3A = tpu.sem_alloc : memref<!tpu.dma_semaphore, #tpu.memory_space<semaphore_mem>>
      %dma_start3A_55 = arith.constant 0 : i32
      %dma_start3A_56 = tpu.memref_slice %arg4[%add3A_30, %dma_start3A_55] : memref<2560x128xi32, #tpu.memory_space<hbm>> -> memref<40x128xi32, #tpu.memory_space<hbm>>
      %dma_start3A_57 = arith.constant 0 : i32
      %dma_start3A_58 = tpu.memref_slice %arg4[%add3A_30, %dma_start3A_57] : memref<2560x128xi32, #tpu.memory_space<hbm>> -> memref<40x128xi32, #tpu.memory_space<hbm>>
      tpu.enqueue_dma source(%dma_start3A_58 : memref<40x128xi32, #tpu.memory_space<hbm>>) target(%arg8 : memref<40x128xi32, #tpu.memory_space<vmem>>) target_semaphore(%run_scoped3A : memref<!tpu.dma_semaphore, #tpu.memory_space<semaphore_mem>>)
      %dma_wait3A = arith.constant 0 : i32
      %dma_wait3A_59 = tpu.memref_slice %arg4[%add3A_30, %dma_wait3A] : memref<2560x128xi32, #tpu.memory_space<hbm>> -> memref<40x128xi32, #tpu.memory_space<hbm>>
      %dma_wait3A_60 = arith.constant 0 : i32
      %dma_wait3A_61 = tpu.memref_slice %arg4[%add3A_30, %dma_wait3A_60] : memref<2560x128xi32, #tpu.memory_space<hbm>> -> memref<40x128xi32, #tpu.memory_space<hbm>>
      tpu.wait_dma2 semaphore(%run_scoped3A : memref<!tpu.dma_semaphore, #tpu.memory_space<semaphore_mem>>) src(%dma_wait3A_61 : memref<40x128xi32, #tpu.memory_space<hbm>>) dst(%arg8 : memref<40x128xi32, #tpu.memory_space<vmem>>)
      tpu.yield
    }) : () -> ()
    %dma_start3A_31 = arith.constant 0 : i32
    %dma_start3A_32 = arith.constant 0 : i32
    %dma_start3A_33 = tpu.memref_slice %arg7[%dma_start3A_31, %dma_start3A_32] : memref<40x128xi32, #tpu.memory_space<vmem>> -> memref<1x128xi32, #tpu.memory_space<vmem>>
    %dma_start3A_34 = tpu.memref_squeeze %dma_start3A_33 : memref<1x128xi32, #tpu.memory_space<vmem>> -> memref<128xi32, #tpu.memory_space<vmem>>
    %dma_start3A_35 = arith.constant 0 : i32
    %dma_start3A_36 = arith.constant 0 : i32
    %dma_start3A_37 = tpu.memref_slice %arg2[%dma_start3A_35, %dma_start3A_36] : memref<10000x128xf32, #tpu.memory_space<hbm>> -> memref<10000x128xf32, #tpu.memory_space<hbm>>
    tpu.enqueue_indirect_dma source(%dma_start3A_37 : memref<10000x128xf32, #tpu.memory_space<hbm>>) target(%arg9 : memref<128x128xf32, #tpu.memory_space<vmem>>) offsets(%dma_start3A_34 : memref<128xi32, #tpu.memory_space<vmem>>) semaphore(%arg13 : memref<!tpu.dma_semaphore, #tpu.memory_space<semaphore_mem>>)
    %dma_start3A_38 = arith.constant 1 : i32
    %dma_start3A_39 = arith.constant 0 : i32
    %dma_start3A_40 = tpu.memref_slice %arg7[%dma_start3A_38, %dma_start3A_39] : memref<40x128xi32, #tpu.memory_space<vmem>> -> memref<1x128xi32, #tpu.memory_space<vmem>>
    %dma_start3A_41 = tpu.memref_squeeze %dma_start3A_40 : memref<1x128xi32, #tpu.memory_space<vmem>> -> memref<128xi32, #tpu.memory_space<vmem>>
    %dma_start3A_42 = arith.constant 0 : i32
    %dma_start3A_43 = arith.constant 0 : i32
    %dma_start3A_44 = tpu.memref_slice %arg2[%dma_start3A_42, %dma_start3A_43] : memref<10000x128xf32, #tpu.memory_space<hbm>> -> memref<10000x128xf32, #tpu.memory_space<hbm>>
    tpu.enqueue_indirect_dma source(%dma_start3A_44 : memref<10000x128xf32, #tpu.memory_space<hbm>>) target(%arg10 : memref<128x128xf32, #tpu.memory_space<vmem>>) offsets(%dma_start3A_41 : memref<128xi32, #tpu.memory_space<vmem>>) semaphore(%arg14 : memref<!tpu.dma_semaphore, #tpu.memory_space<semaphore_mem>>)
    %scan3A_45 = arith.constant 0 : i32
    %scan3A_46 = arith.constant 20 : i32
    %scan3A_47 = arith.addi %scan3A_45, %scan3A_46 : i32
    %scan3A_48 = arith.constant 1 : i32
    scf.for %scan3A_55 = %scan3A_45 to %scan3A_47 step %scan3A_48  : i32 {
      %mul3A_56 = arith.constant 1 : i32
      %mul3A_57 = arith.muli %scan3A_55, %mul3A_56 : i32
      %add3A_58 = arith.constant 0 : i32
      %add3A_59 = arith.addi %add3A_58, %mul3A_57 : i32
      %mul3A_60 = arith.constant 2 : i32
      %mul3A_61 = arith.muli %add3A_59, %mul3A_60 : i32
      %add3A_62 = arith.constant 0 : i32
      %add3A_63 = arith.addi %mul3A_61, %add3A_62 : i32
      %dma_wait3A = arith.constant 0 : i32
      %dma_wait3A_64 = tpu.memref_slice %arg7[%add3A_63, %dma_wait3A] : memref<40x128xi32, #tpu.memory_space<vmem>> -> memref<1x128xi32, #tpu.memory_space<vmem>>
      %dma_wait3A_65 = tpu.memref_squeeze %dma_wait3A_64 : memref<1x128xi32, #tpu.memory_space<vmem>> -> memref<128xi32, #tpu.memory_space<vmem>>
      %dma_wait3A_66 = arith.constant 0 : i32
      %dma_wait3A_67 = arith.constant 0 : i32
      %dma_wait3A_68 = tpu.memref_slice %arg2[%dma_wait3A_66, %dma_wait3A_67] : memref<10000x128xf32, #tpu.memory_space<hbm>> -> memref<10000x128xf32, #tpu.memory_space<hbm>>
      tpu.wait_indirect_dma semaphore(%arg13 : memref<!tpu.dma_semaphore, #tpu.memory_space<semaphore_mem>>) src(%dma_wait3A_68 : memref<10000x128xf32, #tpu.memory_space<hbm>>) dst(%arg9 : memref<128x128xf32, #tpu.memory_space<vmem>>)
      "tpu.region"() ({
        %run_scoped3A = tpu.sem_alloc : memref<!tpu.dma_semaphore, #tpu.memory_space<semaphore_mem>>
        %dma_start3A_90 = arith.constant 0 : i32
        %dma_start3A_91 = tpu.memref_slice %arg8[%add3A_63, %dma_start3A_90] : memref<40x128xi32, #tpu.memory_space<vmem>> -> memref<1x128xi32, #tpu.memory_space<vmem>>
        %dma_start3A_92 = tpu.memref_squeeze %dma_start3A_91 : memref<1x128xi32, #tpu.memory_space<vmem>> -> memref<128xi32, #tpu.memory_space<vmem>>
        %dma_start3A_93 = arith.constant 0 : i32
        %dma_start3A_94 = arith.constant 0 : i32
        %dma_start3A_95 = tpu.memref_slice %arg12[%dma_start3A_93, %dma_start3A_94] : memref<10240x128xf32, #tpu.memory_space<vmem_shared>> -> memref<10240x128xf32, #tpu.memory_space<vmem_shared>>
        tpu.enqueue_indirect_dma source(%arg9 : memref<128x128xf32, #tpu.memory_space<vmem>>) target(%dma_start3A_95 : memref<10240x128xf32, #tpu.memory_space<vmem_shared>>) offsets(%dma_start3A_92 : memref<128xi32, #tpu.memory_space<vmem>>) semaphore(%run_scoped3A : memref<!tpu.dma_semaphore, #tpu.memory_space<semaphore_mem>>) {add = true}
        %dma_wait3A_96 = arith.constant 0 : i32
        %dma_wait3A_97 = tpu.memref_slice %arg8[%add3A_63, %dma_wait3A_96] : memref<40x128xi32, #tpu.memory_space<vmem>> -> memref<1x128xi32, #tpu.memory_space<vmem>>
        %dma_wait3A_98 = tpu.memref_squeeze %dma_wait3A_97 : memref<1x128xi32, #tpu.memory_space<vmem>> -> memref<128xi32, #tpu.memory_space<vmem>>
        %dma_wait3A_99 = arith.constant 0 : i32
        %dma_wait3A_100 = arith.constant 0 : i32
        %dma_wait3A_101 = tpu.memref_slice %arg12[%dma_wait3A_99, %dma_wait3A_100] : memref<10240x128xf32, #tpu.memory_space<vmem_shared>> -> memref<10240x128xf32, #tpu.memory_space<vmem_shared>>
        tpu.wait_indirect_dma semaphore(%run_scoped3A : memref<!tpu.dma_semaphore, #tpu.memory_space<semaphore_mem>>) src(%arg9 : memref<128x128xf32, #tpu.memory_space<vmem>>) dst(%dma_wait3A_101 : memref<10240x128xf32, #tpu.memory_space<vmem_shared>>)
        tpu.yield
      }) : () -> ()
      %add3A_69 = arith.constant 2 : i32
      %add3A_70 = arith.addi %add3A_63, %add3A_69 : i32
      %lt3A = arith.constant 40 : i32
      %lt3A_71 = arith.cmpi slt, %add3A_70, %lt3A : i32
      %convert_element_type3A = arith.extui %lt3A_71 : i1 to i32
      %cond3A = arith.constant 0 : i32
      %cond3A_72 = arith.cmpi ne, %convert_element_type3A, %cond3A : i32
      scf.if %cond3A_72 {
        %add3A_90 = arith.constant 2 : i32
        %add3A_91 = arith.addi %add3A_63, %add3A_90 : i32
        %dma_start3A_92 = arith.constant 0 : i32
        %dma_start3A_93 = tpu.memref_slice %arg7[%add3A_91, %dma_start3A_92] : memref<40x128xi32, #tpu.memory_space<vmem>> -> memref<1x128xi32, #tpu.memory_space<vmem>>
        %dma_start3A_94 = tpu.memref_squeeze %dma_start3A_93 : memref<1x128xi32, #tpu.memory_space<vmem>> -> memref<128xi32, #tpu.memory_space<vmem>>
        %dma_start3A_95 = arith.constant 0 : i32
        %dma_start3A_96 = arith.constant 0 : i32
        %dma_start3A_97 = tpu.memref_slice %arg2[%dma_start3A_95, %dma_start3A_96] : memref<10000x128xf32, #tpu.memory_space<hbm>> -> memref<10000x128xf32, #tpu.memory_space<hbm>>
        tpu.enqueue_indirect_dma source(%dma_start3A_97 : memref<10000x128xf32, #tpu.memory_space<hbm>>) target(%arg9 : memref<128x128xf32, #tpu.memory_space<vmem>>) offsets(%dma_start3A_94 : memref<128xi32, #tpu.memory_space<vmem>>) semaphore(%arg13 : memref<!tpu.dma_semaphore, #tpu.memory_space<semaphore_mem>>)
      } else {
      }
      %mul3A_73 = arith.constant 2 : i32
      %mul3A_74 = arith.muli %add3A_59, %mul3A_73 : i32
      %add3A_75 = arith.constant 1 : i32
      %add3A_76 = arith.addi %mul3A_74, %add3A_75 : i32
      %dma_wait3A_77 = arith.constant 0 : i32
      %dma_wait3A_78 = tpu.memref_slice %arg7[%add3A_76, %dma_wait3A_77] : memref<40x128xi32, #tpu.memory_space<vmem>> -> memref<1x128xi32, #tpu.memory_space<vmem>>
      %dma_wait3A_79 = tpu.memref_squeeze %dma_wait3A_78 : memref<1x128xi32, #tpu.memory_space<vmem>> -> memref<128xi32, #tpu.memory_space<vmem>>
      %dma_wait3A_80 = arith.constant 0 : i32
      %dma_wait3A_81 = arith.constant 0 : i32
      %dma_wait3A_82 = tpu.memref_slice %arg2[%dma_wait3A_80, %dma_wait3A_81] : memref<10000x128xf32, #tpu.memory_space<hbm>> -> memref<10000x128xf32, #tpu.memory_space<hbm>>
      tpu.wait_indirect_dma semaphore(%arg14 : memref<!tpu.dma_semaphore, #tpu.memory_space<semaphore_mem>>) src(%dma_wait3A_82 : memref<10000x128xf32, #tpu.memory_space<hbm>>) dst(%arg10 : memref<128x128xf32, #tpu.memory_space<vmem>>)
      "tpu.region"() ({
        %run_scoped3A = tpu.sem_alloc : memref<!tpu.dma_semaphore, #tpu.memory_space<semaphore_mem>>
        %dma_start3A_90 = arith.constant 0 : i32
        %dma_start3A_91 = tpu.memref_slice %arg8[%add3A_76, %dma_start3A_90] : memref<40x128xi32, #tpu.memory_space<vmem>> -> memref<1x128xi32, #tpu.memory_space<vmem>>
        %dma_start3A_92 = tpu.memref_squeeze %dma_start3A_91 : memref<1x128xi32, #tpu.memory_space<vmem>> -> memref<128xi32, #tpu.memory_space<vmem>>
        %dma_start3A_93 = arith.constant 0 : i32
        %dma_start3A_94 = arith.constant 0 : i32
        %dma_start3A_95 = tpu.memref_slice %arg12[%dma_start3A_93, %dma_start3A_94] : memref<10240x128xf32, #tpu.memory_space<vmem_shared>> -> memref<10240x128xf32, #tpu.memory_space<vmem_shared>>
        tpu.enqueue_indirect_dma source(%arg10 : memref<128x128xf32, #tpu.memory_space<vmem>>) target(%dma_start3A_95 : memref<10240x128xf32, #tpu.memory_space<vmem_shared>>) offsets(%dma_start3A_92 : memref<128xi32, #tpu.memory_space<vmem>>) semaphore(%run_scoped3A : memref<!tpu.dma_semaphore, #tpu.memory_space<semaphore_mem>>) {add = true}
        %dma_wait3A_96 = arith.constant 0 : i32
        %dma_wait3A_97 = tpu.memref_slice %arg8[%add3A_76, %dma_wait3A_96] : memref<40x128xi32, #tpu.memory_space<vmem>> -> memref<1x128xi32, #tpu.memory_space<vmem>>
        %dma_wait3A_98 = tpu.memref_squeeze %dma_wait3A_97 : memref<1x128xi32, #tpu.memory_space<vmem>> -> memref<128xi32, #tpu.memory_space<vmem>>
        %dma_wait3A_99 = arith.constant 0 : i32
        %dma_wait3A_100 = arith.constant 0 : i32
        %dma_wait3A_101 = tpu.memref_slice %arg12[%dma_wait3A_99, %dma_wait3A_100] : memref<10240x128xf32, #tpu.memory_space<vmem_shared>> -> memref<10240x128xf32, #tpu.memory_space<vmem_shared>>
        tpu.wait_indirect_dma semaphore(%run_scoped3A : memref<!tpu.dma_semaphore, #tpu.memory_space<semaphore_mem>>) src(%arg10 : memref<128x128xf32, #tpu.memory_space<vmem>>) dst(%dma_wait3A_101 : memref<10240x128xf32, #tpu.memory_space<vmem_shared>>)
        tpu.yield
      }) : () -> ()
      %add3A_83 = arith.constant 2 : i32
      %add3A_84 = arith.addi %add3A_76, %add3A_83 : i32
      %lt3A_85 = arith.constant 40 : i32
      %lt3A_86 = arith.cmpi slt, %add3A_84, %lt3A_85 : i32
      %convert_element_type3A_87 = arith.extui %lt3A_86 : i1 to i32
      %cond3A_88 = arith.constant 0 : i32
      %cond3A_89 = arith.cmpi ne, %convert_element_type3A_87, %cond3A_88 : i32
      scf.if %cond3A_89 {
        %add3A_90 = arith.constant 2 : i32
        %add3A_91 = arith.addi %add3A_76, %add3A_90 : i32
        %dma_start3A_92 = arith.constant 0 : i32
        %dma_start3A_93 = tpu.memref_slice %arg7[%add3A_91, %dma_start3A_92] : memref<40x128xi32, #tpu.memory_space<vmem>> -> memref<1x128xi32, #tpu.memory_space<vmem>>
        %dma_start3A_94 = tpu.memref_squeeze %dma_start3A_93 : memref<1x128xi32, #tpu.memory_space<vmem>> -> memref<128xi32, #tpu.memory_space<vmem>>
        %dma_start3A_95 = arith.constant 0 : i32
        %dma_start3A_96 = arith.constant 0 : i32
        %dma_start3A_97 = tpu.memref_slice %arg2[%dma_start3A_95, %dma_start3A_96] : memref<10000x128xf32, #tpu.memory_space<hbm>> -> memref<10000x128xf32, #tpu.memory_space<hbm>>
        tpu.enqueue_indirect_dma source(%dma_start3A_97 : memref<10000x128xf32, #tpu.memory_space<hbm>>) target(%arg10 : memref<128x128xf32, #tpu.memory_space<vmem>>) offsets(%dma_start3A_94 : memref<128xi32, #tpu.memory_space<vmem>>) semaphore(%arg14 : memref<!tpu.dma_semaphore, #tpu.memory_space<semaphore_mem>>)
      } else {
      }
    }
    %scan3A_49 = arith.constant 20 : i32
    %barrier3A_50 = arith.constant 0 : index
    tpu.barrier barrier_id(%barrier3A_50)
    %mul3A_51 = arith.constant 640 : i32
    %mul3A_52 = arith.muli %arg1, %mul3A_51 : i32
    %mul3A_53 = arith.constant 640 : i32
    %mul3A_54 = arith.muli %arg1, %mul3A_53 : i32
    "tpu.region"() ({
      %run_scoped3A = tpu.sem_alloc : memref<!tpu.dma_semaphore, #tpu.memory_space<semaphore_mem>>
      %dma_start3A_55 = arith.constant 0 : i32
      %dma_start3A_56 = tpu.memref_slice %arg6[%arg0, %mul3A_54, %dma_start3A_55] : memref<2x10240x128xf32, #tpu.memory_space<hbm>> -> memref<1x640x128xf32, #tpu.memory_space<hbm>>
      %dma_start3A_57 = tpu.memref_squeeze %dma_start3A_56 : memref<1x640x128xf32, #tpu.memory_space<hbm>> -> memref<640x128xf32, #tpu.memory_space<hbm>>
      %dma_start3A_58 = arith.constant 0 : i32
      %dma_start3A_59 = tpu.memref_slice %arg12[%mul3A_52, %dma_start3A_58] : memref<10240x128xf32, #tpu.memory_space<vmem_shared>> -> memref<640x128xf32, #tpu.memory_space<vmem_shared>>
      tpu.enqueue_dma source(%dma_start3A_59 : memref<640x128xf32, #tpu.memory_space<vmem_shared>>) target(%dma_start3A_57 : memref<640x128xf32, #tpu.memory_space<hbm>>) target_semaphore(%run_scoped3A : memref<!tpu.dma_semaphore, #tpu.memory_space<semaphore_mem>>)
      %dma_wait3A = arith.constant 0 : i32
      %dma_wait3A_60 = tpu.memref_slice %arg6[%arg0, %mul3A_54, %dma_wait3A] : memref<2x10240x128xf32, #tpu.memory_space<hbm>> -> memref<1x640x128xf32, #tpu.memory_space<hbm>>
      %dma_wait3A_61 = tpu.memref_squeeze %dma_wait3A_60 : memref<1x640x128xf32, #tpu.memory_space<hbm>> -> memref<640x128xf32, #tpu.memory_space<hbm>>
      %dma_wait3A_62 = arith.constant 0 : i32
      %dma_wait3A_63 = tpu.memref_slice %arg12[%mul3A_52, %dma_wait3A_62] : memref<10240x128xf32, #tpu.memory_space<vmem_shared>> -> memref<640x128xf32, #tpu.memory_space<vmem_shared>>
      tpu.wait_dma2 semaphore(%run_scoped3A : memref<!tpu.dma_semaphore, #tpu.memory_space<semaphore_mem>>) src(%dma_wait3A_63 : memref<640x128xf32, #tpu.memory_space<vmem_shared>>) dst(%dma_wait3A_61 : memref<640x128xf32, #tpu.memory_space<hbm>>)
      tpu.yield
    }) : () -> ()
    return
  }
}

#map = affine_map<(d0, d1) -> (0, 0)>
#map1 = affine_map<(d0, d1) -> (0, 0, 0)>
module attributes {stable_mosaic.version = 14 : i64} {
  func.func @_hop_body(%arg0: i32, %arg1: i32, %arg2: memref<10000x128xf32, #tpu.memory_space<hbm>>, %arg3: memref<2560x128xi32, #tpu.memory_space<hbm>>, %arg4: memref<2560x128xi32, #tpu.memory_space<hbm>>, %arg5: memref<16x128xf32, #tpu.memory_space<hbm>>, %arg6: memref<2x10240x128xf32, #tpu.memory_space<hbm>>, %arg7: memref<40x128xi32, #tpu.memory_space<vmem>>, %arg8: memref<40x128xi32, #tpu.memory_space<vmem>>, %arg9: memref<128x128xf32, #tpu.memory_space<vmem>>, %arg10: memref<128x128xf32, #tpu.memory_space<vmem>>, %arg11: memref<16x128xf32, #tpu.memory_space<vmem>>, %arg12: memref<10240x128xf32, #tpu.memory_space<vmem_shared>>, %arg13: memref<!tpu.dma_semaphore, #tpu.memory_space<semaphore_mem>>, %arg14: memref<!tpu.dma_semaphore, #tpu.memory_space<semaphore_mem>>) attributes {dimension_semantics = [#tpu.dimension_semantics<core_parallel>, #tpu.dimension_semantics<subcore_parallel>], iteration_bounds = array<i64: 2, 16>, scalar_prefetch = 0 : i64, scratch_operands = 8 : i64, tpu.core_type = #tpu.core_type<sc_vector_subcore>, window_params = [{transform_indices = #map}, {transform_indices = #map}, {transform_indices = #map}, {transform_indices = #map}, {transform_indices = #map1}]} {
    %mul3A = arith.constant 2 : i32
    %mul3A_0 = arith.muli %arg1, %mul3A : i32
    %add3A = arith.addi %mul3A_0, %arg0 : i32
    %mul3A_1 = arith.constant 80 : i32
    %mul3A_2 = arith.muli %add3A, %mul3A_1 : i32
    %add3A_3 = arith.constant 0 : i32
    %add3A_4 = arith.addi %mul3A_2, %add3A_3 : i32
    "tpu.region"() ({
      %run_scoped3A = tpu.sem_alloc : memref<!tpu.dma_semaphore, #tpu.memory_space<semaphore_mem>>
      %dma_start3A_55 = arith.constant 0 : i32
      %dma_start3A_56 = tpu.memref_slice %arg3[%add3A_4, %dma_start3A_55] : memref<2560x128xi32, #tpu.memory_space<hbm>> -> memref<40x128xi32, #tpu.memory_space<hbm>>
      %dma_start3A_57 = arith.constant 0 : i32
      %dma_start3A_58 = tpu.memref_slice %arg3[%add3A_4, %dma_start3A_57] : memref<2560x128xi32, #tpu.memory_space<hbm>> -> memref<40x128xi32, #tpu.memory_space<hbm>>
      tpu.enqueue_dma source(%dma_start3A_58 : memref<40x128xi32, #tpu.memory_space<hbm>>) target(%arg7 : memref<40x128xi32, #tpu.memory_space<vmem>>) target_semaphore(%run_scoped3A : memref<!tpu.dma_semaphore, #tpu.memory_space<semaphore_mem>>)
      %dma_wait3A = arith.constant 0 : i32
      %dma_wait3A_59 = tpu.memref_slice %arg3[%add3A_4, %dma_wait3A] : memref<2560x128xi32, #tpu.memory_space<hbm>> -> memref<40x128xi32, #tpu.memory_space<hbm>>
      %dma_wait3A_60 = arith.constant 0 : i32
      %dma_wait3A_61 = tpu.memref_slice %arg3[%add3A_4, %dma_wait3A_60] : memref<2560x128xi32, #tpu.memory_space<hbm>> -> memref<40x128xi32, #tpu.memory_space<hbm>>
      tpu.wait_dma2 semaphore(%run_scoped3A : memref<!tpu.dma_semaphore, #tpu.memory_space<semaphore_mem>>) src(%dma_wait3A_61 : memref<40x128xi32, #tpu.memory_space<hbm>>) dst(%arg7 : memref<40x128xi32, #tpu.memory_space<vmem>>)
      tpu.yield
    }) : () -> ()
    "tpu.region"() ({
      %run_scoped3A = tpu.sem_alloc : memref<!tpu.dma_semaphore, #tpu.memory_space<semaphore_mem>>
      %dma_start3A_55 = arith.constant 0 : i32
      %dma_start3A_56 = tpu.memref_slice %arg4[%add3A_4, %dma_start3A_55] : memref<2560x128xi32, #tpu.memory_space<hbm>> -> memref<40x128xi32, #tpu.memory_space<hbm>>
      %dma_start3A_57 = arith.constant 0 : i32
      %dma_start3A_58 = tpu.memref_slice %arg4[%add3A_4, %dma_start3A_57] : memref<2560x128xi32, #tpu.memory_space<hbm>> -> memref<40x128xi32, #tpu.memory_space<hbm>>
      tpu.enqueue_dma source(%dma_start3A_58 : memref<40x128xi32, #tpu.memory_space<hbm>>) target(%arg8 : memref<40x128xi32, #tpu.memory_space<vmem>>) target_semaphore(%run_scoped3A : memref<!tpu.dma_semaphore, #tpu.memory_space<semaphore_mem>>)
      %dma_wait3A = arith.constant 0 : i32
      %dma_wait3A_59 = tpu.memref_slice %arg4[%add3A_4, %dma_wait3A] : memref<2560x128xi32, #tpu.memory_space<hbm>> -> memref<40x128xi32, #tpu.memory_space<hbm>>
      %dma_wait3A_60 = arith.constant 0 : i32
      %dma_wait3A_61 = tpu.memref_slice %arg4[%add3A_4, %dma_wait3A_60] : memref<2560x128xi32, #tpu.memory_space<hbm>> -> memref<40x128xi32, #tpu.memory_space<hbm>>
      tpu.wait_dma2 semaphore(%run_scoped3A : memref<!tpu.dma_semaphore, #tpu.memory_space<semaphore_mem>>) src(%dma_wait3A_61 : memref<40x128xi32, #tpu.memory_space<hbm>>) dst(%arg8 : memref<40x128xi32, #tpu.memory_space<vmem>>)
      tpu.yield
    }) : () -> ()
    %dma_start3A = arith.constant 0 : i32
    %dma_start3A_5 = arith.constant 0 : i32
    %dma_start3A_6 = tpu.memref_slice %arg7[%dma_start3A, %dma_start3A_5] : memref<40x128xi32, #tpu.memory_space<vmem>> -> memref<1x128xi32, #tpu.memory_space<vmem>>
    %dma_start3A_7 = tpu.memref_squeeze %dma_start3A_6 : memref<1x128xi32, #tpu.memory_space<vmem>> -> memref<128xi32, #tpu.memory_space<vmem>>
    %dma_start3A_8 = arith.constant 0 : i32
    %dma_start3A_9 = arith.constant 0 : i32
    %dma_start3A_10 = tpu.memref_slice %arg2[%dma_start3A_8, %dma_start3A_9] : memref<10000x128xf32, #tpu.memory_space<hbm>> -> memref<10000x128xf32, #tpu.memory_space<hbm>>
    tpu.enqueue_indirect_dma source(%dma_start3A_10 : memref<10000x128xf32, #tpu.memory_space<hbm>>) target(%arg9 : memref<128x128xf32, #tpu.memory_space<vmem>>) offsets(%dma_start3A_7 : memref<128xi32, #tpu.memory_space<vmem>>) semaphore(%arg13 : memref<!tpu.dma_semaphore, #tpu.memory_space<semaphore_mem>>)
    %dma_start3A_11 = arith.constant 1 : i32
    %dma_start3A_12 = arith.constant 0 : i32
    %dma_start3A_13 = tpu.memref_slice %arg7[%dma_start3A_11, %dma_start3A_12] : memref<40x128xi32, #tpu.memory_space<vmem>> -> memref<1x128xi32, #tpu.memory_space<vmem>>
    %dma_start3A_14 = tpu.memref_squeeze %dma_start3A_13 : memref<1x128xi32, #tpu.memory_space<vmem>> -> memref<128xi32, #tpu.memory_space<vmem>>
    %dma_start3A_15 = arith.constant 0 : i32
    %dma_start3A_16 = arith.constant 0 : i32
    %dma_start3A_17 = tpu.memref_slice %arg2[%dma_start3A_15, %dma_start3A_16] : memref<10000x128xf32, #tpu.memory_space<hbm>> -> memref<10000x128xf32, #tpu.memory_space<hbm>>
    tpu.enqueue_indirect_dma source(%dma_start3A_17 : memref<10000x128xf32, #tpu.memory_space<hbm>>) target(%arg10 : memref<128x128xf32, #tpu.memory_space<vmem>>) offsets(%dma_start3A_14 : memref<128xi32, #tpu.memory_space<vmem>>) semaphore(%arg14 : memref<!tpu.dma_semaphore, #tpu.memory_space<semaphore_mem>>)
    "tpu.region"() ({
      %run_scoped3A = tpu.sem_alloc : memref<!tpu.dma_semaphore, #tpu.memory_space<semaphore_mem>>
      tpu.enqueue_dma source(%arg5 : memref<16x128xf32, #tpu.memory_space<hbm>>) target(%arg11 : memref<16x128xf32, #tpu.memory_space<vmem>>) target_semaphore(%run_scoped3A : memref<!tpu.dma_semaphore, #tpu.memory_space<semaphore_mem>>)
      tpu.wait_dma2 semaphore(%run_scoped3A : memref<!tpu.dma_semaphore, #tpu.memory_space<semaphore_mem>>) src(%arg5 : memref<16x128xf32, #tpu.memory_space<hbm>>) dst(%arg11 : memref<16x128xf32, #tpu.memory_space<vmem>>)
      tpu.yield
    }) : () -> ()
    %scan3A = arith.constant 0 : i32
    %scan3A_18 = arith.constant 40 : i32
    %scan3A_19 = arith.addi %scan3A, %scan3A_18 : i32
    %scan3A_20 = arith.constant 1 : i32
    scf.for %scan3A_55 = %scan3A to %scan3A_19 step %scan3A_20  : i32 {
      %mul3A_56 = arith.constant 1 : i32
      %mul3A_57 = arith.muli %scan3A_55, %mul3A_56 : i32
      %add3A_58 = arith.constant 0 : i32
      %add3A_59 = arith.addi %add3A_58, %mul3A_57 : i32
      %mul3A_60 = arith.constant 640 : i32
      %mul3A_61 = arith.muli %arg1, %mul3A_60 : i32
      %mul3A_62 = arith.constant 16 : i32
      %mul3A_63 = arith.muli %add3A_59, %mul3A_62 : i32
      %add3A_64 = arith.addi %mul3A_61, %mul3A_63 : i32
      "tpu.region"() ({
        %run_scoped3A = tpu.sem_alloc : memref<!tpu.dma_semaphore, #tpu.memory_space<semaphore_mem>>
        %dma_start3A_65 = arith.constant 0 : i32
        %dma_start3A_66 = tpu.memref_slice %arg12[%add3A_64, %dma_start3A_65] : memref<10240x128xf32, #tpu.memory_space<vmem_shared>> -> memref<16x128xf32, #tpu.memory_space<vmem_shared>>
        %dma_start3A_67 = arith.constant 0 : i32
        %dma_start3A_68 = tpu.memref_slice %arg12[%add3A_64, %dma_start3A_67] : memref<10240x128xf32, #tpu.memory_space<vmem_shared>> -> memref<16x128xf32, #tpu.memory_space<vmem_shared>>
        tpu.enqueue_dma source(%arg11 : memref<16x128xf32, #tpu.memory_space<vmem>>) target(%dma_start3A_68 : memref<16x128xf32, #tpu.memory_space<vmem_shared>>) target_semaphore(%run_scoped3A : memref<!tpu.dma_semaphore, #tpu.memory_space<semaphore_mem>>)
        %dma_wait3A = arith.constant 0 : i32
        %dma_wait3A_69 = tpu.memref_slice %arg12[%add3A_64, %dma_wait3A] : memref<10240x128xf32, #tpu.memory_space<vmem_shared>> -> memref<16x128xf32, #tpu.memory_space<vmem_shared>>
        %dma_wait3A_70 = arith.constant 0 : i32
        %dma_wait3A_71 = tpu.memref_slice %arg12[%add3A_64, %dma_wait3A_70] : memref<10240x128xf32, #tpu.memory_space<vmem_shared>> -> memref<16x128xf32, #tpu.memory_space<vmem_shared>>
        tpu.wait_dma2 semaphore(%run_scoped3A : memref<!tpu.dma_semaphore, #tpu.memory_space<semaphore_mem>>) src(%arg11 : memref<16x128xf32, #tpu.memory_space<vmem>>) dst(%dma_wait3A_71 : memref<16x128xf32, #tpu.memory_space<vmem_shared>>)
        tpu.yield
      }) : () -> ()
    }
    %scan3A_21 = arith.constant 40 : i32
    %barrier3A = arith.constant 0 : index
    tpu.barrier barrier_id(%barrier3A)
    %scan3A_22 = arith.constant 0 : i32
    %scan3A_23 = arith.constant 20 : i32
    %scan3A_24 = arith.addi %scan3A_22, %scan3A_23 : i32
    %scan3A_25 = arith.constant 1 : i32
    scf.for %scan3A_55 = %scan3A_22 to %scan3A_24 step %scan3A_25  : i32 {
      %mul3A_56 = arith.constant 1 : i32
      %mul3A_57 = arith.muli %scan3A_55, %mul3A_56 : i32
      %add3A_58 = arith.constant 0 : i32
      %add3A_59 = arith.addi %add3A_58, %mul3A_57 : i32
      %mul3A_60 = arith.constant 2 : i32
      %mul3A_61 = arith.muli %add3A_59, %mul3A_60 : i32
      %add3A_62 = arith.constant 0 : i32
      %add3A_63 = arith.addi %mul3A_61, %add3A_62 : i32
      %dma_wait3A = arith.constant 0 : i32
      %dma_wait3A_64 = tpu.memref_slice %arg7[%add3A_63, %dma_wait3A] : memref<40x128xi32, #tpu.memory_space<vmem>> -> memref<1x128xi32, #tpu.memory_space<vmem>>
      %dma_wait3A_65 = tpu.memref_squeeze %dma_wait3A_64 : memref<1x128xi32, #tpu.memory_space<vmem>> -> memref<128xi32, #tpu.memory_space<vmem>>
      %dma_wait3A_66 = arith.constant 0 : i32
      %dma_wait3A_67 = arith.constant 0 : i32
      %dma_wait3A_68 = tpu.memref_slice %arg2[%dma_wait3A_66, %dma_wait3A_67] : memref<10000x128xf32, #tpu.memory_space<hbm>> -> memref<10000x128xf32, #tpu.memory_space<hbm>>
      tpu.wait_indirect_dma semaphore(%arg13 : memref<!tpu.dma_semaphore, #tpu.memory_space<semaphore_mem>>) src(%dma_wait3A_68 : memref<10000x128xf32, #tpu.memory_space<hbm>>) dst(%arg9 : memref<128x128xf32, #tpu.memory_space<vmem>>)
      "tpu.region"() ({
        %run_scoped3A = tpu.sem_alloc : memref<!tpu.dma_semaphore, #tpu.memory_space<semaphore_mem>>
        %dma_start3A_90 = arith.constant 0 : i32
        %dma_start3A_91 = tpu.memref_slice %arg8[%add3A_63, %dma_start3A_90] : memref<40x128xi32, #tpu.memory_space<vmem>> -> memref<1x128xi32, #tpu.memory_space<vmem>>
        %dma_start3A_92 = tpu.memref_squeeze %dma_start3A_91 : memref<1x128xi32, #tpu.memory_space<vmem>> -> memref<128xi32, #tpu.memory_space<vmem>>
        %dma_start3A_93 = arith.constant 0 : i32
        %dma_start3A_94 = arith.constant 0 : i32
        %dma_start3A_95 = tpu.memref_slice %arg12[%dma_start3A_93, %dma_start3A_94] : memref<10240x128xf32, #tpu.memory_space<vmem_shared>> -> memref<10240x128xf32, #tpu.memory_space<vmem_shared>>
        tpu.enqueue_indirect_dma source(%arg9 : memref<128x128xf32, #tpu.memory_space<vmem>>) target(%dma_start3A_95 : memref<10240x128xf32, #tpu.memory_space<vmem_shared>>) offsets(%dma_start3A_92 : memref<128xi32, #tpu.memory_space<vmem>>) semaphore(%run_scoped3A : memref<!tpu.dma_semaphore, #tpu.memory_space<semaphore_mem>>) {add = true}
        %dma_wait3A_96 = arith.constant 0 : i32
        %dma_wait3A_97 = tpu.memref_slice %arg8[%add3A_63, %dma_wait3A_96] : memref<40x128xi32, #tpu.memory_space<vmem>> -> memref<1x128xi32, #tpu.memory_space<vmem>>
        %dma_wait3A_98 = tpu.memref_squeeze %dma_wait3A_97 : memref<1x128xi32, #tpu.memory_space<vmem>> -> memref<128xi32, #tpu.memory_space<vmem>>
        %dma_wait3A_99 = arith.constant 0 : i32
        %dma_wait3A_100 = arith.constant 0 : i32
        %dma_wait3A_101 = tpu.memref_slice %arg12[%dma_wait3A_99, %dma_wait3A_100] : memref<10240x128xf32, #tpu.memory_space<vmem_shared>> -> memref<10240x128xf32, #tpu.memory_space<vmem_shared>>
        tpu.wait_indirect_dma semaphore(%run_scoped3A : memref<!tpu.dma_semaphore, #tpu.memory_space<semaphore_mem>>) src(%arg9 : memref<128x128xf32, #tpu.memory_space<vmem>>) dst(%dma_wait3A_101 : memref<10240x128xf32, #tpu.memory_space<vmem_shared>>)
        tpu.yield
      }) : () -> ()
      %add3A_69 = arith.constant 2 : i32
      %add3A_70 = arith.addi %add3A_63, %add3A_69 : i32
      %lt3A = arith.constant 40 : i32
      %lt3A_71 = arith.cmpi slt, %add3A_70, %lt3A : i32
      %convert_element_type3A = arith.extui %lt3A_71 : i1 to i32
      %cond3A = arith.constant 0 : i32
      %cond3A_72 = arith.cmpi ne, %convert_element_type3A, %cond3A : i32
      scf.if %cond3A_72 {
        %add3A_90 = arith.constant 2 : i32
        %add3A_91 = arith.addi %add3A_63, %add3A_90 : i32
        %dma_start3A_92 = arith.constant 0 : i32
        %dma_start3A_93 = tpu.memref_slice %arg7[%add3A_91, %dma_start3A_92] : memref<40x128xi32, #tpu.memory_space<vmem>> -> memref<1x128xi32, #tpu.memory_space<vmem>>
        %dma_start3A_94 = tpu.memref_squeeze %dma_start3A_93 : memref<1x128xi32, #tpu.memory_space<vmem>> -> memref<128xi32, #tpu.memory_space<vmem>>
        %dma_start3A_95 = arith.constant 0 : i32
        %dma_start3A_96 = arith.constant 0 : i32
        %dma_start3A_97 = tpu.memref_slice %arg2[%dma_start3A_95, %dma_start3A_96] : memref<10000x128xf32, #tpu.memory_space<hbm>> -> memref<10000x128xf32, #tpu.memory_space<hbm>>
        tpu.enqueue_indirect_dma source(%dma_start3A_97 : memref<10000x128xf32, #tpu.memory_space<hbm>>) target(%arg9 : memref<128x128xf32, #tpu.memory_space<vmem>>) offsets(%dma_start3A_94 : memref<128xi32, #tpu.memory_space<vmem>>) semaphore(%arg13 : memref<!tpu.dma_semaphore, #tpu.memory_space<semaphore_mem>>)
      } else {
      }
      %mul3A_73 = arith.constant 2 : i32
      %mul3A_74 = arith.muli %add3A_59, %mul3A_73 : i32
      %add3A_75 = arith.constant 1 : i32
      %add3A_76 = arith.addi %mul3A_74, %add3A_75 : i32
      %dma_wait3A_77 = arith.constant 0 : i32
      %dma_wait3A_78 = tpu.memref_slice %arg7[%add3A_76, %dma_wait3A_77] : memref<40x128xi32, #tpu.memory_space<vmem>> -> memref<1x128xi32, #tpu.memory_space<vmem>>
      %dma_wait3A_79 = tpu.memref_squeeze %dma_wait3A_78 : memref<1x128xi32, #tpu.memory_space<vmem>> -> memref<128xi32, #tpu.memory_space<vmem>>
      %dma_wait3A_80 = arith.constant 0 : i32
      %dma_wait3A_81 = arith.constant 0 : i32
      %dma_wait3A_82 = tpu.memref_slice %arg2[%dma_wait3A_80, %dma_wait3A_81] : memref<10000x128xf32, #tpu.memory_space<hbm>> -> memref<10000x128xf32, #tpu.memory_space<hbm>>
      tpu.wait_indirect_dma semaphore(%arg14 : memref<!tpu.dma_semaphore, #tpu.memory_space<semaphore_mem>>) src(%dma_wait3A_82 : memref<10000x128xf32, #tpu.memory_space<hbm>>) dst(%arg10 : memref<128x128xf32, #tpu.memory_space<vmem>>)
      "tpu.region"() ({
        %run_scoped3A = tpu.sem_alloc : memref<!tpu.dma_semaphore, #tpu.memory_space<semaphore_mem>>
        %dma_start3A_90 = arith.constant 0 : i32
        %dma_start3A_91 = tpu.memref_slice %arg8[%add3A_76, %dma_start3A_90] : memref<40x128xi32, #tpu.memory_space<vmem>> -> memref<1x128xi32, #tpu.memory_space<vmem>>
        %dma_start3A_92 = tpu.memref_squeeze %dma_start3A_91 : memref<1x128xi32, #tpu.memory_space<vmem>> -> memref<128xi32, #tpu.memory_space<vmem>>
        %dma_start3A_93 = arith.constant 0 : i32
        %dma_start3A_94 = arith.constant 0 : i32
        %dma_start3A_95 = tpu.memref_slice %arg12[%dma_start3A_93, %dma_start3A_94] : memref<10240x128xf32, #tpu.memory_space<vmem_shared>> -> memref<10240x128xf32, #tpu.memory_space<vmem_shared>>
        tpu.enqueue_indirect_dma source(%arg10 : memref<128x128xf32, #tpu.memory_space<vmem>>) target(%dma_start3A_95 : memref<10240x128xf32, #tpu.memory_space<vmem_shared>>) offsets(%dma_start3A_92 : memref<128xi32, #tpu.memory_space<vmem>>) semaphore(%run_scoped3A : memref<!tpu.dma_semaphore, #tpu.memory_space<semaphore_mem>>) {add = true}
        %dma_wait3A_96 = arith.constant 0 : i32
        %dma_wait3A_97 = tpu.memref_slice %arg8[%add3A_76, %dma_wait3A_96] : memref<40x128xi32, #tpu.memory_space<vmem>> -> memref<1x128xi32, #tpu.memory_space<vmem>>
        %dma_wait3A_98 = tpu.memref_squeeze %dma_wait3A_97 : memref<1x128xi32, #tpu.memory_space<vmem>> -> memref<128xi32, #tpu.memory_space<vmem>>
        %dma_wait3A_99 = arith.constant 0 : i32
        %dma_wait3A_100 = arith.constant 0 : i32
        %dma_wait3A_101 = tpu.memref_slice %arg12[%dma_wait3A_99, %dma_wait3A_100] : memref<10240x128xf32, #tpu.memory_space<vmem_shared>> -> memref<10240x128xf32, #tpu.memory_space<vmem_shared>>
        tpu.wait_indirect_dma semaphore(%run_scoped3A : memref<!tpu.dma_semaphore, #tpu.memory_space<semaphore_mem>>) src(%arg10 : memref<128x128xf32, #tpu.memory_space<vmem>>) dst(%dma_wait3A_101 : memref<10240x128xf32, #tpu.memory_space<vmem_shared>>)
        tpu.yield
      }) : () -> ()
      %add3A_83 = arith.constant 2 : i32
      %add3A_84 = arith.addi %add3A_76, %add3A_83 : i32
      %lt3A_85 = arith.constant 40 : i32
      %lt3A_86 = arith.cmpi slt, %add3A_84, %lt3A_85 : i32
      %convert_element_type3A_87 = arith.extui %lt3A_86 : i1 to i32
      %cond3A_88 = arith.constant 0 : i32
      %cond3A_89 = arith.cmpi ne, %convert_element_type3A_87, %cond3A_88 : i32
      scf.if %cond3A_89 {
        %add3A_90 = arith.constant 2 : i32
        %add3A_91 = arith.addi %add3A_76, %add3A_90 : i32
        %dma_start3A_92 = arith.constant 0 : i32
        %dma_start3A_93 = tpu.memref_slice %arg7[%add3A_91, %dma_start3A_92] : memref<40x128xi32, #tpu.memory_space<vmem>> -> memref<1x128xi32, #tpu.memory_space<vmem>>
        %dma_start3A_94 = tpu.memref_squeeze %dma_start3A_93 : memref<1x128xi32, #tpu.memory_space<vmem>> -> memref<128xi32, #tpu.memory_space<vmem>>
        %dma_start3A_95 = arith.constant 0 : i32
        %dma_start3A_96 = arith.constant 0 : i32
        %dma_start3A_97 = tpu.memref_slice %arg2[%dma_start3A_95, %dma_start3A_96] : memref<10000x128xf32, #tpu.memory_space<hbm>> -> memref<10000x128xf32, #tpu.memory_space<hbm>>
        tpu.enqueue_indirect_dma source(%dma_start3A_97 : memref<10000x128xf32, #tpu.memory_space<hbm>>) target(%arg10 : memref<128x128xf32, #tpu.memory_space<vmem>>) offsets(%dma_start3A_94 : memref<128xi32, #tpu.memory_space<vmem>>) semaphore(%arg14 : memref<!tpu.dma_semaphore, #tpu.memory_space<semaphore_mem>>)
      } else {
      }
    }
    %scan3A_26 = arith.constant 20 : i32
    %mul3A_27 = arith.constant 80 : i32
    %mul3A_28 = arith.muli %add3A, %mul3A_27 : i32
    %add3A_29 = arith.constant 40 : i32
    %add3A_30 = arith.addi %mul3A_28, %add3A_29 : i32
    "tpu.region"() ({
      %run_scoped3A = tpu.sem_alloc : memref<!tpu.dma_semaphore, #tpu.memory_space<semaphore_mem>>
      %dma_start3A_55 = arith.constant 0 : i32
      %dma_start3A_56 = tpu.memref_slice %arg3[%add3A_30, %dma_start3A_55] : memref<2560x128xi32, #tpu.memory_space<hbm>> -> memref<40x128xi32, #tpu.memory_space<hbm>>
      %dma_start3A_57 = arith.constant 0 : i32
      %dma_start3A_58 = tpu.memref_slice %arg3[%add3A_30, %dma_start3A_57] : memref<2560x128xi32, #tpu.memory_space<hbm>> -> memref<40x128xi32, #tpu.memory_space<hbm>>
      tpu.enqueue_dma source(%dma_start3A_58 : memref<40x128xi32, #tpu.memory_space<hbm>>) target(%arg7 : memref<40x128xi32, #tpu.memory_space<vmem>>) target_semaphore(%run_scoped3A : memref<!tpu.dma_semaphore, #tpu.memory_space<semaphore_mem>>)
      %dma_wait3A = arith.constant 0 : i32
      %dma_wait3A_59 = tpu.memref_slice %arg3[%add3A_30, %dma_wait3A] : memref<2560x128xi32, #tpu.memory_space<hbm>> -> memref<40x128xi32, #tpu.memory_space<hbm>>
      %dma_wait3A_60 = arith.constant 0 : i32
      %dma_wait3A_61 = tpu.memref_slice %arg3[%add3A_30, %dma_wait3A_60] : memref<2560x128xi32, #tpu.memory_space<hbm>> -> memref<40x128xi32, #tpu.memory_space<hbm>>
      tpu.wait_dma2 semaphore(%run_scoped3A : memref<!tpu.dma_semaphore, #tpu.memory_space<semaphore_mem>>) src(%dma_wait3A_61 : memref<40x128xi32, #tpu.memory_space<hbm>>) dst(%arg7 : memref<40x128xi32, #tpu.memory_space<vmem>>)
      tpu.yield
    }) : () -> ()
    "tpu.region"() ({
      %run_scoped3A = tpu.sem_alloc : memref<!tpu.dma_semaphore, #tpu.memory_space<semaphore_mem>>
      %dma_start3A_55 = arith.constant 0 : i32
      %dma_start3A_56 = tpu.memref_slice %arg4[%add3A_30, %dma_start3A_55] : memref<2560x128xi32, #tpu.memory_space<hbm>> -> memref<40x128xi32, #tpu.memory_space<hbm>>
      %dma_start3A_57 = arith.constant 0 : i32
      %dma_start3A_58 = tpu.memref_slice %arg4[%add3A_30, %dma_start3A_57] : memref<2560x128xi32, #tpu.memory_space<hbm>> -> memref<40x128xi32, #tpu.memory_space<hbm>>
      tpu.enqueue_dma source(%dma_start3A_58 : memref<40x128xi32, #tpu.memory_space<hbm>>) target(%arg8 : memref<40x128xi32, #tpu.memory_space<vmem>>) target_semaphore(%run_scoped3A : memref<!tpu.dma_semaphore, #tpu.memory_space<semaphore_mem>>)
      %dma_wait3A = arith.constant 0 : i32
      %dma_wait3A_59 = tpu.memref_slice %arg4[%add3A_30, %dma_wait3A] : memref<2560x128xi32, #tpu.memory_space<hbm>> -> memref<40x128xi32, #tpu.memory_space<hbm>>
      %dma_wait3A_60 = arith.constant 0 : i32
      %dma_wait3A_61 = tpu.memref_slice %arg4[%add3A_30, %dma_wait3A_60] : memref<2560x128xi32, #tpu.memory_space<hbm>> -> memref<40x128xi32, #tpu.memory_space<hbm>>
      tpu.wait_dma2 semaphore(%run_scoped3A : memref<!tpu.dma_semaphore, #tpu.memory_space<semaphore_mem>>) src(%dma_wait3A_61 : memref<40x128xi32, #tpu.memory_space<hbm>>) dst(%arg8 : memref<40x128xi32, #tpu.memory_space<vmem>>)
      tpu.yield
    }) : () -> ()
    %dma_start3A_31 = arith.constant 0 : i32
    %dma_start3A_32 = arith.constant 0 : i32
    %dma_start3A_33 = tpu.memref_slice %arg7[%dma_start3A_31, %dma_start3A_32] : memref<40x128xi32, #tpu.memory_space<vmem>> -> memref<1x128xi32, #tpu.memory_space<vmem>>
    %dma_start3A_34 = tpu.memref_squeeze %dma_start3A_33 : memref<1x128xi32, #tpu.memory_space<vmem>> -> memref<128xi32, #tpu.memory_space<vmem>>
    %dma_start3A_35 = arith.constant 0 : i32
    %dma_start3A_36 = arith.constant 0 : i32
    %dma_start3A_37 = tpu.memref_slice %arg2[%dma_start3A_35, %dma_start3A_36] : memref<10000x128xf32, #tpu.memory_space<hbm>> -> memref<10000x128xf32, #tpu.memory_space<hbm>>
    tpu.enqueue_indirect_dma source(%dma_start3A_37 : memref<10000x128xf32, #tpu.memory_space<hbm>>) target(%arg9 : memref<128x128xf32, #tpu.memory_space<vmem>>) offsets(%dma_start3A_34 : memref<128xi32, #tpu.memory_space<vmem>>) semaphore(%arg13 : memref<!tpu.dma_semaphore, #tpu.memory_space<semaphore_mem>>)
    %dma_start3A_38 = arith.constant 1 : i32
    %dma_start3A_39 = arith.constant 0 : i32
    %dma_start3A_40 = tpu.memref_slice %arg7[%dma_start3A_38, %dma_start3A_39] : memref<40x128xi32, #tpu.memory_space<vmem>> -> memref<1x128xi32, #tpu.memory_space<vmem>>
    %dma_start3A_41 = tpu.memref_squeeze %dma_start3A_40 : memref<1x128xi32, #tpu.memory_space<vmem>> -> memref<128xi32, #tpu.memory_space<vmem>>
    %dma_start3A_42 = arith.constant 0 : i32
    %dma_start3A_43 = arith.constant 0 : i32
    %dma_start3A_44 = tpu.memref_slice %arg2[%dma_start3A_42, %dma_start3A_43] : memref<10000x128xf32, #tpu.memory_space<hbm>> -> memref<10000x128xf32, #tpu.memory_space<hbm>>
    tpu.enqueue_indirect_dma source(%dma_start3A_44 : memref<10000x128xf32, #tpu.memory_space<hbm>>) target(%arg10 : memref<128x128xf32, #tpu.memory_space<vmem>>) offsets(%dma_start3A_41 : memref<128xi32, #tpu.memory_space<vmem>>) semaphore(%arg14 : memref<!tpu.dma_semaphore, #tpu.memory_space<semaphore_mem>>)
    %scan3A_45 = arith.constant 0 : i32
    %scan3A_46 = arith.constant 20 : i32
    %scan3A_47 = arith.addi %scan3A_45, %scan3A_46 : i32
    %scan3A_48 = arith.constant 1 : i32
    scf.for %scan3A_55 = %scan3A_45 to %scan3A_47 step %scan3A_48  : i32 {
      %mul3A_56 = arith.constant 1 : i32
      %mul3A_57 = arith.muli %scan3A_55, %mul3A_56 : i32
      %add3A_58 = arith.constant 0 : i32
      %add3A_59 = arith.addi %add3A_58, %mul3A_57 : i32
      %mul3A_60 = arith.constant 2 : i32
      %mul3A_61 = arith.muli %add3A_59, %mul3A_60 : i32
      %add3A_62 = arith.constant 0 : i32
      %add3A_63 = arith.addi %mul3A_61, %add3A_62 : i32
      %dma_wait3A = arith.constant 0 : i32
      %dma_wait3A_64 = tpu.memref_slice %arg7[%add3A_63, %dma_wait3A] : memref<40x128xi32, #tpu.memory_space<vmem>> -> memref<1x128xi32, #tpu.memory_space<vmem>>
      %dma_wait3A_65 = tpu.memref_squeeze %dma_wait3A_64 : memref<1x128xi32, #tpu.memory_space<vmem>> -> memref<128xi32, #tpu.memory_space<vmem>>
      %dma_wait3A_66 = arith.constant 0 : i32
      %dma_wait3A_67 = arith.constant 0 : i32
      %dma_wait3A_68 = tpu.memref_slice %arg2[%dma_wait3A_66, %dma_wait3A_67] : memref<10000x128xf32, #tpu.memory_space<hbm>> -> memref<10000x128xf32, #tpu.memory_space<hbm>>
      tpu.wait_indirect_dma semaphore(%arg13 : memref<!tpu.dma_semaphore, #tpu.memory_space<semaphore_mem>>) src(%dma_wait3A_68 : memref<10000x128xf32, #tpu.memory_space<hbm>>) dst(%arg9 : memref<128x128xf32, #tpu.memory_space<vmem>>)
      "tpu.region"() ({
        %run_scoped3A = tpu.sem_alloc : memref<!tpu.dma_semaphore, #tpu.memory_space<semaphore_mem>>
        %dma_start3A_90 = arith.constant 0 : i32
        %dma_start3A_91 = tpu.memref_slice %arg8[%add3A_63, %dma_start3A_90] : memref<40x128xi32, #tpu.memory_space<vmem>> -> memref<1x128xi32, #tpu.memory_space<vmem>>
        %dma_start3A_92 = tpu.memref_squeeze %dma_start3A_91 : memref<1x128xi32, #tpu.memory_space<vmem>> -> memref<128xi32, #tpu.memory_space<vmem>>
        %dma_start3A_93 = arith.constant 0 : i32
        %dma_start3A_94 = arith.constant 0 : i32
        %dma_start3A_95 = tpu.memref_slice %arg12[%dma_start3A_93, %dma_start3A_94] : memref<10240x128xf32, #tpu.memory_space<vmem_shared>> -> memref<10240x128xf32, #tpu.memory_space<vmem_shared>>
        tpu.enqueue_indirect_dma source(%arg9 : memref<128x128xf32, #tpu.memory_space<vmem>>) target(%dma_start3A_95 : memref<10240x128xf32, #tpu.memory_space<vmem_shared>>) offsets(%dma_start3A_92 : memref<128xi32, #tpu.memory_space<vmem>>) semaphore(%run_scoped3A : memref<!tpu.dma_semaphore, #tpu.memory_space<semaphore_mem>>) {add = true}
        %dma_wait3A_96 = arith.constant 0 : i32
        %dma_wait3A_97 = tpu.memref_slice %arg8[%add3A_63, %dma_wait3A_96] : memref<40x128xi32, #tpu.memory_space<vmem>> -> memref<1x128xi32, #tpu.memory_space<vmem>>
        %dma_wait3A_98 = tpu.memref_squeeze %dma_wait3A_97 : memref<1x128xi32, #tpu.memory_space<vmem>> -> memref<128xi32, #tpu.memory_space<vmem>>
        %dma_wait3A_99 = arith.constant 0 : i32
        %dma_wait3A_100 = arith.constant 0 : i32
        %dma_wait3A_101 = tpu.memref_slice %arg12[%dma_wait3A_99, %dma_wait3A_100] : memref<10240x128xf32, #tpu.memory_space<vmem_shared>> -> memref<10240x128xf32, #tpu.memory_space<vmem_shared>>
        tpu.wait_indirect_dma semaphore(%run_scoped3A : memref<!tpu.dma_semaphore, #tpu.memory_space<semaphore_mem>>) src(%arg9 : memref<128x128xf32, #tpu.memory_space<vmem>>) dst(%dma_wait3A_101 : memref<10240x128xf32, #tpu.memory_space<vmem_shared>>)
        tpu.yield
      }) : () -> ()
      %add3A_69 = arith.constant 2 : i32
      %add3A_70 = arith.addi %add3A_63, %add3A_69 : i32
      %lt3A = arith.constant 40 : i32
      %lt3A_71 = arith.cmpi slt, %add3A_70, %lt3A : i32
      %convert_element_type3A = arith.extui %lt3A_71 : i1 to i32
      %cond3A = arith.constant 0 : i32
      %cond3A_72 = arith.cmpi ne, %convert_element_type3A, %cond3A : i32
      scf.if %cond3A_72 {
        %add3A_90 = arith.constant 2 : i32
        %add3A_91 = arith.addi %add3A_63, %add3A_90 : i32
        %dma_start3A_92 = arith.constant 0 : i32
        %dma_start3A_93 = tpu.memref_slice %arg7[%add3A_91, %dma_start3A_92] : memref<40x128xi32, #tpu.memory_space<vmem>> -> memref<1x128xi32, #tpu.memory_space<vmem>>
        %dma_start3A_94 = tpu.memref_squeeze %dma_start3A_93 : memref<1x128xi32, #tpu.memory_space<vmem>> -> memref<128xi32, #tpu.memory_space<vmem>>
        %dma_start3A_95 = arith.constant 0 : i32
        %dma_start3A_96 = arith.constant 0 : i32
        %dma_start3A_97 = tpu.memref_slice %arg2[%dma_start3A_95, %dma_start3A_96] : memref<10000x128xf32, #tpu.memory_space<hbm>> -> memref<10000x128xf32, #tpu.memory_space<hbm>>
        tpu.enqueue_indirect_dma source(%dma_start3A_97 : memref<10000x128xf32, #tpu.memory_space<hbm>>) target(%arg9 : memref<128x128xf32, #tpu.memory_space<vmem>>) offsets(%dma_start3A_94 : memref<128xi32, #tpu.memory_space<vmem>>) semaphore(%arg13 : memref<!tpu.dma_semaphore, #tpu.memory_space<semaphore_mem>>)
      } else {
      }
      %mul3A_73 = arith.constant 2 : i32
      %mul3A_74 = arith.muli %add3A_59, %mul3A_73 : i32
      %add3A_75 = arith.constant 1 : i32
      %add3A_76 = arith.addi %mul3A_74, %add3A_75 : i32
      %dma_wait3A_77 = arith.constant 0 : i32
      %dma_wait3A_78 = tpu.memref_slice %arg7[%add3A_76, %dma_wait3A_77] : memref<40x128xi32, #tpu.memory_space<vmem>> -> memref<1x128xi32, #tpu.memory_space<vmem>>
      %dma_wait3A_79 = tpu.memref_squeeze %dma_wait3A_78 : memref<1x128xi32, #tpu.memory_space<vmem>> -> memref<128xi32, #tpu.memory_space<vmem>>
      %dma_wait3A_80 = arith.constant 0 : i32
      %dma_wait3A_81 = arith.constant 0 : i32
      %dma_wait3A_82 = tpu.memref_slice %arg2[%dma_wait3A_80, %dma_wait3A_81] : memref<10000x128xf32, #tpu.memory_space<hbm>> -> memref<10000x128xf32, #tpu.memory_space<hbm>>
      tpu.wait_indirect_dma semaphore(%arg14 : memref<!tpu.dma_semaphore, #tpu.memory_space<semaphore_mem>>) src(%dma_wait3A_82 : memref<10000x128xf32, #tpu.memory_space<hbm>>) dst(%arg10 : memref<128x128xf32, #tpu.memory_space<vmem>>)
      "tpu.region"() ({
        %run_scoped3A = tpu.sem_alloc : memref<!tpu.dma_semaphore, #tpu.memory_space<semaphore_mem>>
        %dma_start3A_90 = arith.constant 0 : i32
        %dma_start3A_91 = tpu.memref_slice %arg8[%add3A_76, %dma_start3A_90] : memref<40x128xi32, #tpu.memory_space<vmem>> -> memref<1x128xi32, #tpu.memory_space<vmem>>
        %dma_start3A_92 = tpu.memref_squeeze %dma_start3A_91 : memref<1x128xi32, #tpu.memory_space<vmem>> -> memref<128xi32, #tpu.memory_space<vmem>>
        %dma_start3A_93 = arith.constant 0 : i32
        %dma_start3A_94 = arith.constant 0 : i32
        %dma_start3A_95 = tpu.memref_slice %arg12[%dma_start3A_93, %dma_start3A_94] : memref<10240x128xf32, #tpu.memory_space<vmem_shared>> -> memref<10240x128xf32, #tpu.memory_space<vmem_shared>>
        tpu.enqueue_indirect_dma source(%arg10 : memref<128x128xf32, #tpu.memory_space<vmem>>) target(%dma_start3A_95 : memref<10240x128xf32, #tpu.memory_space<vmem_shared>>) offsets(%dma_start3A_92 : memref<128xi32, #tpu.memory_space<vmem>>) semaphore(%run_scoped3A : memref<!tpu.dma_semaphore, #tpu.memory_space<semaphore_mem>>) {add = true}
        %dma_wait3A_96 = arith.constant 0 : i32
        %dma_wait3A_97 = tpu.memref_slice %arg8[%add3A_76, %dma_wait3A_96] : memref<40x128xi32, #tpu.memory_space<vmem>> -> memref<1x128xi32, #tpu.memory_space<vmem>>
        %dma_wait3A_98 = tpu.memref_squeeze %dma_wait3A_97 : memref<1x128xi32, #tpu.memory_space<vmem>> -> memref<128xi32, #tpu.memory_space<vmem>>
        %dma_wait3A_99 = arith.constant 0 : i32
        %dma_wait3A_100 = arith.constant 0 : i32
        %dma_wait3A_101 = tpu.memref_slice %arg12[%dma_wait3A_99, %dma_wait3A_100] : memref<10240x128xf32, #tpu.memory_space<vmem_shared>> -> memref<10240x128xf32, #tpu.memory_space<vmem_shared>>
        tpu.wait_indirect_dma semaphore(%run_scoped3A : memref<!tpu.dma_semaphore, #tpu.memory_space<semaphore_mem>>) src(%arg10 : memref<128x128xf32, #tpu.memory_space<vmem>>) dst(%dma_wait3A_101 : memref<10240x128xf32, #tpu.memory_space<vmem_shared>>)
        tpu.yield
      }) : () -> ()
      %add3A_83 = arith.constant 2 : i32
      %add3A_84 = arith.addi %add3A_76, %add3A_83 : i32
      %lt3A_85 = arith.constant 40 : i32
      %lt3A_86 = arith.cmpi slt, %add3A_84, %lt3A_85 : i32
      %convert_element_type3A_87 = arith.extui %lt3A_86 : i1 to i32
      %cond3A_88 = arith.constant 0 : i32
      %cond3A_89 = arith.cmpi ne, %convert_element_type3A_87, %cond3A_88 : i32
      scf.if %cond3A_89 {
        %add3A_90 = arith.constant 2 : i32
        %add3A_91 = arith.addi %add3A_76, %add3A_90 : i32
        %dma_start3A_92 = arith.constant 0 : i32
        %dma_start3A_93 = tpu.memref_slice %arg7[%add3A_91, %dma_start3A_92] : memref<40x128xi32, #tpu.memory_space<vmem>> -> memref<1x128xi32, #tpu.memory_space<vmem>>
        %dma_start3A_94 = tpu.memref_squeeze %dma_start3A_93 : memref<1x128xi32, #tpu.memory_space<vmem>> -> memref<128xi32, #tpu.memory_space<vmem>>
        %dma_start3A_95 = arith.constant 0 : i32
        %dma_start3A_96 = arith.constant 0 : i32
        %dma_start3A_97 = tpu.memref_slice %arg2[%dma_start3A_95, %dma_start3A_96] : memref<10000x128xf32, #tpu.memory_space<hbm>> -> memref<10000x128xf32, #tpu.memory_space<hbm>>
        tpu.enqueue_indirect_dma source(%dma_start3A_97 : memref<10000x128xf32, #tpu.memory_space<hbm>>) target(%arg10 : memref<128x128xf32, #tpu.memory_space<vmem>>) offsets(%dma_start3A_94 : memref<128xi32, #tpu.memory_space<vmem>>) semaphore(%arg14 : memref<!tpu.dma_semaphore, #tpu.memory_space<semaphore_mem>>)
      } else {
      }
    }
    %scan3A_49 = arith.constant 20 : i32
    %barrier3A_50 = arith.constant 0 : index
    tpu.barrier barrier_id(%barrier3A_50)
    %mul3A_51 = arith.constant 640 : i32
    %mul3A_52 = arith.muli %arg1, %mul3A_51 : i32
    %mul3A_53 = arith.constant 640 : i32
    %mul3A_54 = arith.muli %arg1, %mul3A_53 : i32
    "tpu.region"() ({
      %run_scoped3A = tpu.sem_alloc : memref<!tpu.dma_semaphore, #tpu.memory_space<semaphore_mem>>
      %dma_start3A_55 = arith.constant 0 : i32
      %dma_start3A_56 = tpu.memref_slice %arg6[%arg0, %mul3A_54, %dma_start3A_55] : memref<2x10240x128xf32, #tpu.memory_space<hbm>> -> memref<1x640x128xf32, #tpu.memory_space<hbm>>
      %dma_start3A_57 = tpu.memref_squeeze %dma_start3A_56 : memref<1x640x128xf32, #tpu.memory_space<hbm>> -> memref<640x128xf32, #tpu.memory_space<hbm>>
      %dma_start3A_58 = arith.constant 0 : i32
      %dma_start3A_59 = tpu.memref_slice %arg12[%mul3A_52, %dma_start3A_58] : memref<10240x128xf32, #tpu.memory_space<vmem_shared>> -> memref<640x128xf32, #tpu.memory_space<vmem_shared>>
      tpu.enqueue_dma source(%dma_start3A_59 : memref<640x128xf32, #tpu.memory_space<vmem_shared>>) target(%dma_start3A_57 : memref<640x128xf32, #tpu.memory_space<hbm>>) target_semaphore(%run_scoped3A : memref<!tpu.dma_semaphore, #tpu.memory_space<semaphore_mem>>)
      %dma_wait3A = arith.constant 0 : i32
      %dma_wait3A_60 = tpu.memref_slice %arg6[%arg0, %mul3A_54, %dma_wait3A] : memref<2x10240x128xf32, #tpu.memory_space<hbm>> -> memref<1x640x128xf32, #tpu.memory_space<hbm>>
      %dma_wait3A_61 = tpu.memref_squeeze %dma_wait3A_60 : memref<1x640x128xf32, #tpu.memory_space<hbm>> -> memref<640x128xf32, #tpu.memory_space<hbm>>
      %dma_wait3A_62 = arith.constant 0 : i32
      %dma_wait3A_63 = tpu.memref_slice %arg12[%mul3A_52, %dma_wait3A_62] : memref<10240x128xf32, #tpu.memory_space<vmem_shared>> -> memref<640x128xf32, #tpu.memory_space<vmem_shared>>
      tpu.wait_dma2 semaphore(%run_scoped3A : memref<!tpu.dma_semaphore, #tpu.memory_space<semaphore_mem>>) src(%dma_wait3A_63 : memref<640x128xf32, #tpu.memory_space<vmem_shared>>) dst(%dma_wait3A_61 : memref<640x128xf32, #tpu.memory_space<hbm>>)
      tpu.yield
    }) : () -> ()
    return
  }
}

module attributes {stable_mosaic.version = 14 : i64} {
  func.func @_lin0_kernel(%arg0: i32, %arg1: memref<1x1x1000xi32, #tpu.memory_space<vmem>>, %arg2: memref<1000x128xf32, #tpu.memory_space<vmem>>, %arg3: memref<128x128xf32, #tpu.memory_space<vmem>>, %arg4: memref<1x128xf32, #tpu.memory_space<vmem>>, %arg5: memref<1000x128xf32, #tpu.memory_space<vmem>>, %arg6: memref<128x128xf32, #tpu.memory_space<vmem>>, %arg7: memref<128x128xf32, #tpu.memory_space<vmem>>, %arg8: memref<128x128xf32, #tpu.memory_space<vmem>>, %arg9: memref<128x128xf32, #tpu.memory_space<vmem>>) attributes {dimension_semantics = [#tpu.dimension_semantics<arbitrary>], iteration_bounds = array<i64: 10>, scalar_prefetch = 0 : i64, scratch_operands = 2 : i64, tpu.core_type = #tpu.core_type<tc>, window_params = [{transform_indices = @transform_0, window_bounds = array<i64: 1, 1, 1000>}, {transform_indices = @transform_1, window_bounds = array<i64: 1000, 128>}, {pipeline_mode = #tpu.pipeline_mode<synchronous>, transform_indices = @transform_2, window_bounds = array<i64: 128, 128>}, {pipeline_mode = #tpu.pipeline_mode<synchronous>, transform_indices = @transform_3, window_bounds = array<i64: 1, 128>}, {transform_indices = @transform_4, window_bounds = array<i64: 1000, 128>}, {pipeline_mode = #tpu.pipeline_mode<synchronous>, transform_indices = @transform_5, window_bounds = array<i64: 128, 128>}, {pipeline_mode = #tpu.pipeline_mode<synchronous>, transform_indices = @transform_6, window_bounds = array<i64: 128, 128>}]} {
    %eq3A = arith.constant 0 : i32
    %eq3A_0 = arith.cmpi eq, %arg0, %eq3A : i32
    %convert_element_type3A = arith.extui %eq3A_0 : i1 to i32
    %cond3A = arith.constant 0 : i32
    %cond3A_1 = arith.cmpi ne, %convert_element_type3A, %cond3A : i32
    scf.if %cond3A_1 {
      %broadcast_in_dim3A_48 = arith.constant 0.000000e+00 : f32
      %broadcast_in_dim3A_49 = vector.broadcast %broadcast_in_dim3A_48 : f32 to vector<128x128xf32>
      %swap3A_50 = arith.constant 0 : index
      %swap3A_51 = arith.constant 0 : index
      %swap3A_52 = vector.load %arg8[%swap3A_50, %swap3A_51] : memref<128x128xf32, #tpu.memory_space<vmem>>, vector<128x128xf32>
      tpu.vector_store %arg8[%swap3A_50, %swap3A_51], %broadcast_in_dim3A_49 {strides = array<i32>} : memref<128x128xf32, #tpu.memory_space<vmem>>, vector<128x128xf32>,
      %broadcast_in_dim3A_53 = arith.constant 0.000000e+00 : f32
      %broadcast_in_dim3A_54 = vector.broadcast %broadcast_in_dim3A_53 : f32 to vector<128x128xf32>
      %swap3A_55 = arith.constant 0 : index
      %swap3A_56 = arith.constant 0 : index
      %swap3A_57 = vector.load %arg9[%swap3A_55, %swap3A_56] : memref<128x128xf32, #tpu.memory_space<vmem>>, vector<128x128xf32>
      tpu.vector_store %arg9[%swap3A_55, %swap3A_56], %broadcast_in_dim3A_54 {strides = array<i32>} : memref<128x128xf32, #tpu.memory_space<vmem>>, vector<128x128xf32>,
    } else {
    }
    %get3A = arith.constant 0 : index
    %get3A_2 = arith.constant 0 : index
    %get3A_3 = vector.load %arg2[%get3A, %get3A_2] : memref<1000x128xf32, #tpu.memory_space<vmem>>, vector<1000x128xf32>
    %get3A_4 = arith.constant 0 : index
    %get3A_5 = arith.constant 0 : index
    %get3A_6 = vector.load %arg3[%get3A_4, %get3A_5] : memref<128x128xf32, #tpu.memory_space<vmem>>, vector<128x128xf32>
    %dot_general3A = arith.constant dense<0.000000e+00> : vector<1000x128xf32>
    %dot_general3A_7 = tpu.matmul %get3A_3, %get3A_6, %dot_general3A {dimension_numbers = #tpu.dot_dimension_numbers<[1], [1], [0], [0], [0, 0, 1, 0], [], []>, transpose_lhs_hint = false} : vector<1000x128xf32>, vector<128x128xf32>, vector<1000x128xf32> -> vector<1000x128xf32>
    %get3A_8 = arith.constant 0 : index
    %get3A_9 = arith.constant 0 : index
    %get3A_10 = vector.load %arg4[%get3A_8, %get3A_9] : memref<1x128xf32, #tpu.memory_space<vmem>>, vector<1x128xf32>
    %add3A = vector.broadcast %get3A_10 : vector<1x128xf32> to vector<1000x128xf32>
    %add3A_11 = arith.addf %dot_general3A_7, %add3A : vector<1000x128xf32>
    %swap3A = arith.constant 0 : index
    %swap3A_12 = arith.constant 0 : index
    %swap3A_13 = vector.load %arg5[%swap3A, %swap3A_12] : memref<1000x128xf32, #tpu.memory_space<vmem>>, vector<1000x128xf32>
    tpu.vector_store %arg5[%swap3A, %swap3A_12], %add3A_11 {strides = array<i32>} : memref<1000x128xf32, #tpu.memory_space<vmem>>, vector<1000x128xf32>,
    %get3A_14 = arith.constant 0 : index
    %get3A_15 = arith.constant 0 : index
    %get3A_16 = arith.constant 0 : index
    %get3A_17 = vector.load %arg1[%get3A_14, %get3A_15, %get3A_16] : memref<1x1x1000xi32, #tpu.memory_space<vmem>>, vector<1x1x1000xi32>
    %get3A_18 = vector.shape_cast %get3A_17 : vector<1x1x1000xi32> to vector<1x1000xi32>
    %iota3A = tpu.iota {dimensions = array<i32: 0>} : vector<128x1000xi32>
    %eq3A_19 = vector.broadcast %get3A_18 : vector<1x1000xi32> to vector<128x1000xi32>
    %eq3A_20 = arith.cmpi eq, %eq3A_19, %iota3A : vector<128x1000xi32>
    %jit3A = arith.constant 1.000000e+00 : f32
    %jit3A_21 = arith.constant 0.000000e+00 : f32
    %broadcast_in_dim3A = vector.broadcast %jit3A : f32 to vector<128x1000xf32>
    %broadcast_in_dim3A_22 = vector.broadcast %jit3A_21 : f32 to vector<128x1000xf32>
    %select_n3A = arith.select %eq3A_20, %broadcast_in_dim3A, %broadcast_in_dim3A_22 : vector<128x1000xi1>, vector<128x1000xf32>
    %get3A_23 = arith.constant 0 : index
    %get3A_24 = arith.constant 0 : index
    %get3A_25 = vector.load %arg8[%get3A_23, %get3A_24] : memref<128x128xf32, #tpu.memory_space<vmem>>, vector<128x128xf32>
    %dot_general3A_26 = arith.constant dense<0.000000e+00> : vector<128x128xf32>
    %dot_general3A_27 = tpu.matmul %select_n3A, %add3A_11, %dot_general3A_26 {dimension_numbers = #tpu.dot_dimension_numbers<[1], [0], [0], [1], [0, 0, 1, 1], [], []>, transpose_lhs_hint = false} : vector<128x1000xf32>, vector<1000x128xf32>, vector<128x128xf32> -> vector<128x128xf32>
    %add3A_28 = arith.addf %get3A_25, %dot_general3A_27 : vector<128x128xf32>
    %swap3A_29 = arith.constant 0 : index
    %swap3A_30 = arith.constant 0 : index
    %swap3A_31 = vector.load %arg8[%swap3A_29, %swap3A_30] : memref<128x128xf32, #tpu.memory_space<vmem>>, vector<128x128xf32>
    tpu.vector_store %arg8[%swap3A_29, %swap3A_30], %add3A_28 {strides = array<i32>} : memref<128x128xf32, #tpu.memory_space<vmem>>, vector<128x128xf32>,
    %get3A_32 = arith.constant 0 : index
    %get3A_33 = arith.constant 0 : index
    %get3A_34 = vector.load %arg9[%get3A_32, %get3A_33] : memref<128x128xf32, #tpu.memory_space<vmem>>, vector<128x128xf32>
    %reduce_sum3A = arith.constant dense<0.000000e+00> : vector<128xf32>
    %reduce_sum3A_35 = vector.multi_reduction <add>, %select_n3A, %reduce_sum3A [1] : vector<128x1000xf32> to vector<128xf32>
    %broadcast_in_dim3A_36 = vector.shape_cast %reduce_sum3A_35 : vector<128xf32> to vector<128x1xf32>
    %broadcast_in_dim3A_37 = vector.shape_cast %broadcast_in_dim3A_36 : vector<128x1xf32> to vector<128x1xf32>
    %broadcast_in_dim3A_38 = vector.broadcast %broadcast_in_dim3A_37 : vector<128x1xf32> to vector<128x128xf32>
    %add3A_39 = arith.addf %get3A_34, %broadcast_in_dim3A_38 : vector<128x128xf32>
    %swap3A_40 = arith.constant 0 : index
    %swap3A_41 = arith.constant 0 : index
    %swap3A_42 = vector.load %arg9[%swap3A_40, %swap3A_41] : memref<128x128xf32, #tpu.memory_space<vmem>>, vector<128x128xf32>
    tpu.vector_store %arg9[%swap3A_40, %swap3A_41], %add3A_39 {strides = array<i32>} : memref<128x128xf32, #tpu.memory_space<vmem>>, vector<128x128xf32>,
    %eq3A_43 = arith.constant 9 : i32
    %eq3A_44 = arith.cmpi eq, %arg0, %eq3A_43 : i32
    %convert_element_type3A_45 = arith.extui %eq3A_44 : i1 to i32
    %cond3A_46 = arith.constant 0 : i32
    %cond3A_47 = arith.cmpi ne, %convert_element_type3A_45, %cond3A_46 : i32
    scf.if %cond3A_47 {
      %get3A_48 = arith.constant 0 : index
      %get3A_49 = arith.constant 0 : index
      %get3A_50 = vector.load %arg8[%get3A_48, %get3A_49] : memref<128x128xf32, #tpu.memory_space<vmem>>, vector<128x128xf32>
      %swap3A_51 = arith.constant 0 : index
      %swap3A_52 = arith.constant 0 : index
      %swap3A_53 = vector.load %arg6[%swap3A_51, %swap3A_52] : memref<128x128xf32, #tpu.memory_space<vmem>>, vector<128x128xf32>
      tpu.vector_store %arg6[%swap3A_51, %swap3A_52], %get3A_50 {strides = array<i32>} : memref<128x128xf32, #tpu.memory_space<vmem>>, vector<128x128xf32>,
      %get3A_54 = arith.constant 0 : index
      %get3A_55 = arith.constant 0 : index
      %get3A_56 = vector.load %arg9[%get3A_54, %get3A_55] : memref<128x128xf32, #tpu.memory_space<vmem>>, vector<128x128xf32>
      %swap3A_57 = arith.constant 0 : index
      %swap3A_58 = arith.constant 0 : index
      %swap3A_59 = vector.load %arg7[%swap3A_57, %swap3A_58] : memref<128x128xf32, #tpu.memory_space<vmem>>, vector<128x128xf32>
      tpu.vector_store %arg7[%swap3A_57, %swap3A_58], %get3A_56 {strides = array<i32>} : memref<128x128xf32, #tpu.memory_space<vmem>>, vector<128x128xf32>,
    } else {
    }
    return
  }
  func.func @transform_0(%arg0: i32) -> (i32, i32, i32) {
    %c0_i32 = arith.constant 0 : i32
    %c0_i32_0 = arith.constant 0 : i32
    %c0_i32_1 = arith.constant 0 : i32
    return %arg0, %c0_i32, %c0_i32_0 : i32, i32, i32
  }
  func.func @transform_1(%arg0: i32) -> (i32, i32) {
    %c0_i32 = arith.constant 0 : i32
    %c0_i32_0 = arith.constant 0 : i32
    return %arg0, %c0_i32 : i32, i32
  }
  func.func @transform_2(%arg0: i32) -> (i32, i32) {
    %c0_i32 = arith.constant 0 : i32
    %c0_i32_0 = arith.constant 0 : i32
    %c0_i32_1 = arith.constant 0 : i32
    return %c0_i32, %c0_i32_0 : i32, i32
  }
  func.func @transform_3(%arg0: i32) -> (i32, i32) {
    %c0_i32 = arith.constant 0 : i32
    %c0_i32_0 = arith.constant 0 : i32
    %c0_i32_1 = arith.constant 0 : i32
    return %c0_i32, %c0_i32_0 : i32, i32
  }
  func.func @transform_4(%arg0: i32) -> (i32, i32) {
    %c0_i32 = arith.constant 0 : i32
    %c0_i32_0 = arith.constant 0 : i32
    return %arg0, %c0_i32 : i32, i32
  }
  func.func @transform_5(%arg0: i32) -> (i32, i32) {
    %c0_i32 = arith.constant 0 : i32
    %c0_i32_0 = arith.constant 0 : i32
    %c0_i32_1 = arith.constant 0 : i32
    return %c0_i32, %c0_i32_0 : i32, i32
  }
  func.func @transform_6(%arg0: i32) -> (i32, i32) {
    %c0_i32 = arith.constant 0 : i32
    %c0_i32_0 = arith.constant 0 : i32
    %c0_i32_1 = arith.constant 0 : i32
    return %c0_i32, %c0_i32_0 : i32, i32
  }
}

module attributes {stable_mosaic.version = 14 : i64} {
  func.func @_combine_kernel(%arg0: i32, %arg1: memref<1x1x1000xi32, #tpu.memory_space<vmem>>, %arg2: memref<1x1000x128xf32, #tpu.memory_space<vmem>>, %arg3: memref<1x1000x128xf32, #tpu.memory_space<vmem>>, %arg4: memref<1000x128xf32, #tpu.memory_space<vmem>>, %arg5: memref<128x128xf32, #tpu.memory_space<vmem>>, %arg6: memref<128x128xf32, #tpu.memory_space<vmem>>) attributes {dimension_semantics = [#tpu.dimension_semantics<arbitrary>], iteration_bounds = array<i64: 10>, scalar_prefetch = 0 : i64, scratch_operands = 1 : i64, tpu.core_type = #tpu.core_type<tc>, window_params = [{transform_indices = @transform_0, window_bounds = array<i64: 1, 1, 1000>}, {transform_indices = @transform_1, window_bounds = array<i64: 1, 1000, 128>}, {transform_indices = @transform_2, window_bounds = array<i64: 1, 1000, 128>}, {transform_indices = @transform_3, window_bounds = array<i64: 1000, 128>}, {pipeline_mode = #tpu.pipeline_mode<synchronous>, transform_indices = @transform_4, window_bounds = array<i64: 128, 128>}]} {
    %eq3A = arith.constant 0 : i32
    %eq3A_0 = arith.cmpi eq, %arg0, %eq3A : i32
    %convert_element_type3A = arith.extui %eq3A_0 : i1 to i32
    %cond3A = arith.constant 0 : i32
    %cond3A_1 = arith.cmpi ne, %convert_element_type3A, %cond3A : i32
    scf.if %cond3A_1 {
      %broadcast_in_dim3A_35 = arith.constant 0.000000e+00 : f32
      %broadcast_in_dim3A_36 = vector.broadcast %broadcast_in_dim3A_35 : f32 to vector<128x128xf32>
      %swap3A_37 = arith.constant 0 : index
      %swap3A_38 = arith.constant 0 : index
      %swap3A_39 = vector.load %arg6[%swap3A_37, %swap3A_38] : memref<128x128xf32, #tpu.memory_space<vmem>>, vector<128x128xf32>
      tpu.vector_store %arg6[%swap3A_37, %swap3A_38], %broadcast_in_dim3A_36 {strides = array<i32>} : memref<128x128xf32, #tpu.memory_space<vmem>>, vector<128x128xf32>,
    } else {
    }
    %get3A = arith.constant 0 : index
    %get3A_2 = arith.constant 0 : index
    %get3A_3 = arith.constant 0 : index
    %get3A_4 = vector.load %arg2[%get3A, %get3A_2, %get3A_3] : memref<1x1000x128xf32, #tpu.memory_space<vmem>>, vector<1x1000x128xf32>
    %get3A_5 = vector.shape_cast %get3A_4 : vector<1x1000x128xf32> to vector<1000x128xf32>
    %get3A_6 = arith.constant 0 : index
    %get3A_7 = arith.constant 0 : index
    %get3A_8 = arith.constant 0 : index
    %get3A_9 = vector.load %arg3[%get3A_6, %get3A_7, %get3A_8] : memref<1x1000x128xf32, #tpu.memory_space<vmem>>, vector<1x1000x128xf32>
    %get3A_10 = vector.shape_cast %get3A_9 : vector<1x1000x128xf32> to vector<1000x128xf32>
    %add3A = arith.addf %get3A_5, %get3A_10 : vector<1000x128xf32>
    %swap3A = arith.constant 0 : index
    %swap3A_11 = arith.constant 0 : index
    %swap3A_12 = vector.load %arg4[%swap3A, %swap3A_11] : memref<1000x128xf32, #tpu.memory_space<vmem>>, vector<1000x128xf32>
    tpu.vector_store %arg4[%swap3A, %swap3A_11], %add3A {strides = array<i32>} : memref<1000x128xf32, #tpu.memory_space<vmem>>, vector<1000x128xf32>,
    %get3A_13 = arith.constant 0 : index
    %get3A_14 = arith.constant 0 : index
    %get3A_15 = vector.load %arg6[%get3A_13, %get3A_14] : memref<128x128xf32, #tpu.memory_space<vmem>>, vector<128x128xf32>
    %get3A_16 = arith.constant 0 : index
    %get3A_17 = arith.constant 0 : index
    %get3A_18 = arith.constant 0 : index
    %get3A_19 = vector.load %arg1[%get3A_16, %get3A_17, %get3A_18] : memref<1x1x1000xi32, #tpu.memory_space<vmem>>, vector<1x1x1000xi32>
    %get3A_20 = vector.shape_cast %get3A_19 : vector<1x1x1000xi32> to vector<1x1000xi32>
    %iota3A = tpu.iota {dimensions = array<i32: 0>} : vector<128x1000xi32>
    %eq3A_21 = vector.broadcast %get3A_20 : vector<1x1000xi32> to vector<128x1000xi32>
    %eq3A_22 = arith.cmpi eq, %eq3A_21, %iota3A : vector<128x1000xi32>
    %jit3A = arith.constant 1.000000e+00 : f32
    %jit3A_23 = arith.constant 0.000000e+00 : f32
    %broadcast_in_dim3A = vector.broadcast %jit3A : f32 to vector<128x1000xf32>
    %broadcast_in_dim3A_24 = vector.broadcast %jit3A_23 : f32 to vector<128x1000xf32>
    %select_n3A = arith.select %eq3A_22, %broadcast_in_dim3A, %broadcast_in_dim3A_24 : vector<128x1000xi1>, vector<128x1000xf32>
    %dot_general3A = arith.constant dense<0.000000e+00> : vector<128x128xf32>
    %dot_general3A_25 = tpu.matmul %select_n3A, %add3A, %dot_general3A {dimension_numbers = #tpu.dot_dimension_numbers<[1], [0], [0], [1], [0, 0, 1, 1], [], []>, transpose_lhs_hint = false} : vector<128x1000xf32>, vector<1000x128xf32>, vector<128x128xf32> -> vector<128x128xf32>
    %add3A_26 = arith.addf %get3A_15, %dot_general3A_25 : vector<128x128xf32>
    %swap3A_27 = arith.constant 0 : index
    %swap3A_28 = arith.constant 0 : index
    %swap3A_29 = vector.load %arg6[%swap3A_27, %swap3A_28] : memref<128x128xf32, #tpu.memory_space<vmem>>, vector<128x128xf32>
    tpu.vector_store %arg6[%swap3A_27, %swap3A_28], %add3A_26 {strides = array<i32>} : memref<128x128xf32, #tpu.memory_space<vmem>>, vector<128x128xf32>,
    %eq3A_30 = arith.constant 9 : i32
    %eq3A_31 = arith.cmpi eq, %arg0, %eq3A_30 : i32
    %convert_element_type3A_32 = arith.extui %eq3A_31 : i1 to i32
    %cond3A_33 = arith.constant 0 : i32
    %cond3A_34 = arith.cmpi ne, %convert_element_type3A_32, %cond3A_33 : i32
    scf.if %cond3A_34 {
      %get3A_35 = arith.constant 0 : index
      %get3A_36 = arith.constant 0 : index
      %get3A_37 = vector.load %arg6[%get3A_35, %get3A_36] : memref<128x128xf32, #tpu.memory_space<vmem>>, vector<128x128xf32>
      %swap3A_38 = arith.constant 0 : index
      %swap3A_39 = arith.constant 0 : index
      %swap3A_40 = vector.load %arg5[%swap3A_38, %swap3A_39] : memref<128x128xf32, #tpu.memory_space<vmem>>, vector<128x128xf32>
      tpu.vector_store %arg5[%swap3A_38, %swap3A_39], %get3A_37 {strides = array<i32>} : memref<128x128xf32, #tpu.memory_space<vmem>>, vector<128x128xf32>,
    } else {
    }
    return
  }
  func.func @transform_0(%arg0: i32) -> (i32, i32, i32) {
    %c0_i32 = arith.constant 0 : i32
    %c0_i32_0 = arith.constant 0 : i32
    %c0_i32_1 = arith.constant 0 : i32
    return %arg0, %c0_i32, %c0_i32_0 : i32, i32, i32
  }
  func.func @transform_1(%arg0: i32) -> (i32, i32, i32) {
    %c0_i32 = arith.constant 0 : i32
    %c0_i32_0 = arith.constant 0 : i32
    %c0_i32_1 = arith.constant 0 : i32
    return %c0_i32, %arg0, %c0_i32_0 : i32, i32, i32
  }
  func.func @transform_2(%arg0: i32) -> (i32, i32, i32) {
    %c1_i32 = arith.constant 1 : i32
    %c0_i32 = arith.constant 0 : i32
    %c0_i32_0 = arith.constant 0 : i32
    return %c1_i32, %arg0, %c0_i32 : i32, i32, i32
  }
  func.func @transform_3(%arg0: i32) -> (i32, i32) {
    %c0_i32 = arith.constant 0 : i32
    %c0_i32_0 = arith.constant 0 : i32
    return %arg0, %c0_i32 : i32, i32
  }
  func.func @transform_4(%arg0: i32) -> (i32, i32) {
    %c0_i32 = arith.constant 0 : i32
    %c0_i32_0 = arith.constant 0 : i32
    %c0_i32_1 = arith.constant 0 : i32
    return %c0_i32, %c0_i32_0 : i32, i32
  }
}

module attributes {stable_mosaic.version = 14 : i64} {
  func.func @_head_kernel(%arg0: i32, %arg1: memref<1x1x1000xi32, #tpu.memory_space<vmem>>, %arg2: memref<1x1000x128xf32, #tpu.memory_space<vmem>>, %arg3: memref<1x1000x128xf32, #tpu.memory_space<vmem>>, %arg4: memref<128x128xf32, #tpu.memory_space<vmem>>, %arg5: memref<128x128xf32, #tpu.memory_space<vmem>>, %arg6: memref<128x128xf32, #tpu.memory_space<vmem>>, %arg7: memref<1x128xf32, #tpu.memory_space<vmem>>, %arg8: memref<384x128xf32, #tpu.memory_space<vmem>>, %arg9: memref<1x128xf32, #tpu.memory_space<vmem>>, %arg10: memref<128x128xf32, #tpu.memory_space<vmem>>, %arg11: memref<128x128xf32, #tpu.memory_space<vmem>>) attributes {dimension_semantics = [#tpu.dimension_semantics<arbitrary>], iteration_bounds = array<i64: 10>, scalar_prefetch = 0 : i64, scratch_operands = 1 : i64, tpu.core_type = #tpu.core_type<tc>, window_params = [{transform_indices = @transform_0, window_bounds = array<i64: 1, 1, 1000>}, {transform_indices = @transform_1, window_bounds = array<i64: 1, 1000, 128>}, {transform_indices = @transform_2, window_bounds = array<i64: 1, 1000, 128>}, {pipeline_mode = #tpu.pipeline_mode<synchronous>, transform_indices = @transform_3, window_bounds = array<i64: 128, 128>}, {pipeline_mode = #tpu.pipeline_mode<synchronous>, transform_indices = @transform_4, window_bounds = array<i64: 128, 128>}, {pipeline_mode = #tpu.pipeline_mode<synchronous>, transform_indices = @transform_5, window_bounds = array<i64: 128, 128>}, {pipeline_mode = #tpu.pipeline_mode<synchronous>, transform_indices = @transform_6, window_bounds = array<i64: 1, 128>}, {pipeline_mode = #tpu.pipeline_mode<synchronous>, transform_indices = @transform_7, window_bounds = array<i64: 384, 128>}, {pipeline_mode = #tpu.pipeline_mode<synchronous>, transform_indices = @transform_8, window_bounds = array<i64: 1, 128>}, {pipeline_mode = #tpu.pipeline_mode<synchronous>, transform_indices = @transform_9, window_bounds = array<i64: 128, 128>}]} {
    %eq3A = arith.constant 0 : i32
    %eq3A_0 = arith.cmpi eq, %arg0, %eq3A : i32
    %convert_element_type3A = arith.extui %eq3A_0 : i1 to i32
    %cond3A = arith.constant 0 : i32
    %cond3A_1 = arith.cmpi ne, %convert_element_type3A, %cond3A : i32
    scf.if %cond3A_1 {
      %broadcast_in_dim3A_32 = arith.constant 0.000000e+00 : f32
      %broadcast_in_dim3A_33 = vector.broadcast %broadcast_in_dim3A_32 : f32 to vector<128x128xf32>
      %swap3A_34 = arith.constant 0 : index
      %swap3A_35 = arith.constant 0 : index
      %swap3A_36 = vector.load %arg11[%swap3A_34, %swap3A_35] : memref<128x128xf32, #tpu.memory_space<vmem>>, vector<128x128xf32>
      tpu.vector_store %arg11[%swap3A_34, %swap3A_35], %broadcast_in_dim3A_33 {strides = array<i32>} : memref<128x128xf32, #tpu.memory_space<vmem>>, vector<128x128xf32>,
    } else {
    }
    %get3A = arith.constant 0 : index
    %get3A_2 = arith.constant 0 : index
    %get3A_3 = vector.load %arg11[%get3A, %get3A_2] : memref<128x128xf32, #tpu.memory_space<vmem>>, vector<128x128xf32>
    %get3A_4 = arith.constant 0 : index
    %get3A_5 = arith.constant 0 : index
    %get3A_6 = arith.constant 0 : index
    %get3A_7 = vector.load %arg1[%get3A_4, %get3A_5, %get3A_6] : memref<1x1x1000xi32, #tpu.memory_space<vmem>>, vector<1x1x1000xi32>
    %get3A_8 = vector.shape_cast %get3A_7 : vector<1x1x1000xi32> to vector<1x1000xi32>
    %iota3A = tpu.iota {dimensions = array<i32: 0>} : vector<128x1000xi32>
    %eq3A_9 = vector.broadcast %get3A_8 : vector<1x1000xi32> to vector<128x1000xi32>
    %eq3A_10 = arith.cmpi eq, %eq3A_9, %iota3A : vector<128x1000xi32>
    %jit3A = arith.constant 1.000000e+00 : f32
    %jit3A_11 = arith.constant 0.000000e+00 : f32
    %broadcast_in_dim3A = vector.broadcast %jit3A : f32 to vector<128x1000xf32>
    %broadcast_in_dim3A_12 = vector.broadcast %jit3A_11 : f32 to vector<128x1000xf32>
    %select_n3A = arith.select %eq3A_10, %broadcast_in_dim3A, %broadcast_in_dim3A_12 : vector<128x1000xi1>, vector<128x1000xf32>
    %get3A_13 = arith.constant 0 : index
    %get3A_14 = arith.constant 0 : index
    %get3A_15 = arith.constant 0 : index
    %get3A_16 = vector.load %arg2[%get3A_13, %get3A_14, %get3A_15] : memref<1x1000x128xf32, #tpu.memory_space<vmem>>, vector<1x1000x128xf32>
    %get3A_17 = vector.shape_cast %get3A_16 : vector<1x1000x128xf32> to vector<1000x128xf32>
    %get3A_18 = arith.constant 0 : index
    %get3A_19 = arith.constant 0 : index
    %get3A_20 = arith.constant 0 : index
    %get3A_21 = vector.load %arg3[%get3A_18, %get3A_19, %get3A_20] : memref<1x1000x128xf32, #tpu.memory_space<vmem>>, vector<1x1000x128xf32>
    %get3A_22 = vector.shape_cast %get3A_21 : vector<1x1000x128xf32> to vector<1000x128xf32>
    %add3A = arith.addf %get3A_17, %get3A_22 : vector<1000x128xf32>
    %dot_general3A = arith.constant dense<0.000000e+00> : vector<128x128xf32>
    %dot_general3A_23 = tpu.matmul %select_n3A, %add3A, %dot_general3A {dimension_numbers = #tpu.dot_dimension_numbers<[1], [0], [0], [1], [0, 0, 1, 1], [], []>, transpose_lhs_hint = false} : vector<128x1000xf32>, vector<1000x128xf32>, vector<128x128xf32> -> vector<128x128xf32>
    %add3A_24 = arith.addf %get3A_3, %dot_general3A_23 : vector<128x128xf32>
    %swap3A = arith.constant 0 : index
    %swap3A_25 = arith.constant 0 : index
    %swap3A_26 = vector.load %arg11[%swap3A, %swap3A_25] : memref<128x128xf32, #tpu.memory_space<vmem>>, vector<128x128xf32>
    tpu.vector_store %arg11[%swap3A, %swap3A_25], %add3A_24 {strides = array<i32>} : memref<128x128xf32, #tpu.memory_space<vmem>>, vector<128x128xf32>,
    %eq3A_27 = arith.constant 9 : i32
    %eq3A_28 = arith.cmpi eq, %arg0, %eq3A_27 : i32
    %convert_element_type3A_29 = arith.extui %eq3A_28 : i1 to i32
    %cond3A_30 = arith.constant 0 : i32
    %cond3A_31 = arith.cmpi ne, %convert_element_type3A_29, %cond3A_30 : i32
    scf.if %cond3A_31 {
      %get3A_32 = arith.constant 0 : index
      %get3A_33 = arith.constant 0 : index
      %get3A_34 = vector.load %arg6[%get3A_32, %get3A_33] : memref<128x128xf32, #tpu.memory_space<vmem>>, vector<128x128xf32>
      %max3A = arith.constant 1.000000e+00 : f32
      %max3A_35 = vector.broadcast %max3A : f32 to vector<128x128xf32>
      %max3A_36 = arith.maximumf %get3A_34, %max3A_35 : vector<128x128xf32>
      %get3A_37 = arith.constant 0 : index
      %get3A_38 = arith.constant 0 : index
      %get3A_39 = vector.load %arg7[%get3A_37, %get3A_38] : memref<1x128xf32, #tpu.memory_space<vmem>>, vector<1x128xf32>
      %add3A_40 = arith.constant 1.000000e+00 : f32
      %add3A_41 = vector.broadcast %add3A_40 : f32 to vector<1x128xf32>
      %add3A_42 = arith.addf %add3A_41, %get3A_39 : vector<1x128xf32>
      %get3A_43 = arith.constant 0 : index
      %get3A_44 = arith.constant 0 : index
      %get3A_45 = vector.load %arg4[%get3A_43, %get3A_44] : memref<128x128xf32, #tpu.memory_space<vmem>>, vector<128x128xf32>
      %mul3A = vector.broadcast %add3A_42 : vector<1x128xf32> to vector<128x128xf32>
      %mul3A_46 = arith.mulf %get3A_45, %mul3A : vector<128x128xf32>
      %div3A = arith.divf %mul3A_46, %max3A_36 : vector<128x128xf32>
      %get3A_47 = arith.constant 0 : index
      %get3A_48 = arith.constant 0 : index
      %get3A_49 = vector.load %arg5[%get3A_47, %get3A_48] : memref<128x128xf32, #tpu.memory_space<vmem>>, vector<128x128xf32>
      %div3A_50 = arith.divf %get3A_49, %max3A_36 : vector<128x128xf32>
      %get3A_51 = arith.constant 0 : index
      %get3A_52 = arith.constant 0 : index
      %get3A_53 = vector.load %arg11[%get3A_51, %get3A_52] : memref<128x128xf32, #tpu.memory_space<vmem>>, vector<128x128xf32>
      %div3A_54 = arith.divf %get3A_53, %max3A_36 : vector<128x128xf32>
      %concatenate3A = tpu.concatenate %div3A, %div3A_50, %div3A_54 in 1 : vector<128x128xf32>, vector<128x128xf32>, vector<128x128xf32> -> vector<128x384xf32>
      %get3A_55 = arith.constant 0 : index
      %get3A_56 = arith.constant 0 : index
      %get3A_57 = vector.load %arg8[%get3A_55, %get3A_56] : memref<384x128xf32, #tpu.memory_space<vmem>>, vector<384x128xf32>
      %dot_general3A_58 = arith.constant dense<0.000000e+00> : vector<128x128xf32>
      %dot_general3A_59 = tpu.matmul %concatenate3A, %get3A_57, %dot_general3A_58 {dimension_numbers = #tpu.dot_dimension_numbers<[1], [0], [0], [1], [0, 0, 1, 1], [], []>, transpose_lhs_hint = false} : vector<128x384xf32>, vector<384x128xf32>, vector<128x128xf32> -> vector<128x128xf32>
      %get3A_60 = arith.constant 0 : index
      %get3A_61 = arith.constant 0 : index
      %get3A_62 = vector.load %arg9[%get3A_60, %get3A_61] : memref<1x128xf32, #tpu.memory_space<vmem>>, vector<1x128xf32>
      %add3A_63 = vector.broadcast %get3A_62 : vector<1x128xf32> to vector<128x128xf32>
      %add3A_64 = arith.addf %dot_general3A_59, %add3A_63 : vector<128x128xf32>
      %swap3A_65 = arith.constant 0 : index
      %swap3A_66 = arith.constant 0 : index
      %swap3A_67 = vector.load %arg10[%swap3A_65, %swap3A_66] : memref<128x128xf32, #tpu.memory_space<vmem>>, vector<128x128xf32>
      tpu.vector_store %arg10[%swap3A_65, %swap3A_66], %add3A_64 {strides = array<i32>} : memref<128x128xf32, #tpu.memory_space<vmem>>, vector<128x128xf32>,
    } else {
    }
    return
  }
  func.func @transform_0(%arg0: i32) -> (i32, i32, i32) {
    %c0_i32 = arith.constant 0 : i32
    %c0_i32_0 = arith.constant 0 : i32
    %c0_i32_1 = arith.constant 0 : i32
    return %arg0, %c0_i32, %c0_i32_0 : i32, i32, i32
  }
  func.func @transform_1(%arg0: i32) -> (i32, i32, i32) {
    %c0_i32 = arith.constant 0 : i32
    %c0_i32_0 = arith.constant 0 : i32
    %c0_i32_1 = arith.constant 0 : i32
    return %c0_i32, %arg0, %c0_i32_0 : i32, i32, i32
  }
  func.func @transform_2(%arg0: i32) -> (i32, i32, i32) {
    %c1_i32 = arith.constant 1 : i32
    %c0_i32 = arith.constant 0 : i32
    %c0_i32_0 = arith.constant 0 : i32
    return %c1_i32, %arg0, %c0_i32 : i32, i32, i32
  }
  func.func @transform_3(%arg0: i32) -> (i32, i32) {
    %c0_i32 = arith.constant 0 : i32
    %c0_i32_0 = arith.constant 0 : i32
    %c0_i32_1 = arith.constant 0 : i32
    return %c0_i32, %c0_i32_0 : i32, i32
  }
  func.func @transform_4(%arg0: i32) -> (i32, i32) {
    %c0_i32 = arith.constant 0 : i32
    %c0_i32_0 = arith.constant 0 : i32
    %c0_i32_1 = arith.constant 0 : i32
    return %c0_i32, %c0_i32_0 : i32, i32
  }
  func.func @transform_5(%arg0: i32) -> (i32, i32) {
    %c0_i32 = arith.constant 0 : i32
    %c0_i32_0 = arith.constant 0 : i32
    %c0_i32_1 = arith.constant 0 : i32
    return %c0_i32, %c0_i32_0 : i32, i32
  }
  func.func @transform_6(%arg0: i32) -> (i32, i32) {
    %c0_i32 = arith.constant 0 : i32
    %c0_i32_0 = arith.constant 0 : i32
    %c0_i32_1 = arith.constant 0 : i32
    return %c0_i32, %c0_i32_0 : i32, i32
  }
  func.func @transform_7(%arg0: i32) -> (i32, i32) {
    %c0_i32 = arith.constant 0 : i32
    %c0_i32_0 = arith.constant 0 : i32
    %c0_i32_1 = arith.constant 0 : i32
    return %c0_i32, %c0_i32_0 : i32, i32
  }
  func.func @transform_8(%arg0: i32) -> (i32, i32) {
    %c0_i32 = arith.constant 0 : i32
    %c0_i32_0 = arith.constant 0 : i32
    %c0_i32_1 = arith.constant 0 : i32
    return %c0_i32, %c0_i32_0 : i32, i32
  }
  func.func @transform_9(%arg0: i32) -> (i32, i32) {
    %c0_i32 = arith.constant 0 : i32
    %c0_i32_0 = arith.constant 0 : i32
    %c0_i32_1 = arith.constant 0 : i32
    return %c0_i32, %c0_i32_0 : i32, i32
  }
}

</mosaic_0001>

<sc_bundles>
// kernel: kernel.10.cloned.1.call-start
scs
__scs_entry_jumppad:
0x0: {  	(pc) =	sbr.rel $0x88, $3  }
0x1: {  	(tag) =	ssettag $0x0;
	lr =	simm.s32 $0x1  }
0x2: {  	[smem:$0x3F96] =	sst lr;
	_ =	strace $0xD0000000  }
0x3: {  	_ = 	snop  }
0x4: {  	_ = 	snop  }
0x5: {  	_ = 	snop  }
0x6: {  	_ = 	snop  }
0x7: {  	_ = 	snop  }
__scs_overlays_trampoline_lowered:
0x8: {  	[smem:$0x3FA5] =	sst s0  }
0x9: {  	[smem:$0x3FA6] =	sst s1  }
0xa: {  	[smem:$0x3FA7] =	sst s2  }
0xb: {  	[smem:$0x3FA8] =	sst s3  }
0xc: {  	[smem:$0x3FA9] =	sst s4  }
0xd: {  	[smem:$0x3FAA] =	sst s5  }
0xe: {  	[smem:$0x3FAB] =	sst s6  }
0xf: {  	[smem:$0x3FAC] =	sst s7  }
0x10: {  	[smem:$0x3FAD] =	sst s8  }
0x11: {  	[smem:$0x3FAE] =	sst s9;
	s0 =	simm.s32 @!p0 $0x0  }
0x12: {  	s1 =	sld [smem:$0x3F94];
	s0 =	simm.s32 @p0 $0x1  }
0x13: {  	[smem:$0x3FAF] =	sst s0;
	s0 =	simm.s32 @!p1 $0x0  }
0x14: {  	s2 =	sld [smem:$0x3F93];
	s0 =	simm.s32 @p1 $0x1  }
0x15: {  	[smem:$0x3FB0] =	sst s0;
	s0 =	simm.s32 @!p2 $0x0  }
0x16: {  	s3 =	sld [smem:$0x3FDB];
	s0 =	simm.s32 @p2 $0x1  }
0x17: {  	s4 =	simm.s32 $0x1BF5;
	[smem:$0x3FB2] =	sst s0  }
0x18: {  	s0 =	sld [smem:$0x3F95];
	_ =	swait.ge [sflag:s4], $0x0  }
0x19: {  	s7 =	sld [smem:$0x3F96]  }
0x1a: {  	s8 =	sadd.s32 $0xFFFFE003, lr  }
0x1b: {  	s9 =	sadd.s32 $0xFFFFFEF7, lr;
	s5 =	simm.s32 $0xFFFFFFFF;
	p2 =	slt.u32 s8, $0xFFFFF086  }
0x1c: {  	p1 =	slt.u32 s9, $0xF7A;
	s5 =	simm.s32 @!p2 $0x0  }
0x1d: {  	s5 =	simm.s32 @p1 $0x1;
	p0 =	seq.s32 s7, s2  }
0x1e: {  	s7 =	smul.u32 @!p0 $0xF7A, s2;
	p2 =	seq.s32 @!p0 s5, $0x0  }
0x1f: {  	s9 =	smul.u32 $0xF7A, s1;
	s8 =	simm.s32 @!p0 $0x1BF5;
	p2 =	por !p2, p0  }
0x20: {  	[sflag:s8] =	ssyncset.s32 @!p0 $0xFFFFF086;
	s6 =	sadd.s32 @!p0 s3, s7;
	s7 =	simm.s32 @!p0 $0x108  }
0x21: {  	s3 =	sadd.s32 s3, s9;
	s6 =	sadd.s32 @!p0 $0x88, s6;
	s7 =	simm.s32 @p2 $0x1082  }
0x22: {  	[simem:s7], [sflag:s8] =	dma.local @!p0 [hbm:s6], $0xF7A  }
0x23: {  	s9 =	sor.u32 $0xD0000000, s2;
	s6 =	simm.s32 $0x108;
	_ =	swait.ge @!p0 [sflag:s8], $0x0  }
0x24: {  	s3 =	sadd.s32 $0x88, s3;
	s6 =	simm.s32 @!p1 $0x1082;
	[sflag:s4] =	ssyncset.s32 $0xFFFFF086  }
0x25: {  	[simem:s6], [sflag:s4] =	dma.local [hbm:s3], $0xF7A  }
0x26: {  	[smem:$0x3F96] =	sst s1;
	(tag) =	ssettag s2;
	_ =	strace s9  }
0x27: {  	s1 =	sld [smem:$0x3FA6]  }
0x28: {  	s2 =	sld [smem:$0x3FA7]  }
0x29: {  	s4 =	sld [smem:$0x3FA9]  }
0x2a: {  	p0 =	seq.s32 s5, $0x0;
	s5 =	sld [smem:$0x3FAA]  }
0x2b: {  	s6 =	sld [smem:$0x3FAB]  }
0x2c: {  	s7 =	sld [smem:$0x3FAC]  }
0x2d: {  	s3 =	simm.s32 $0x108;
	s8 =	sld [smem:$0x3FAD]  }
0x2e: {  	s3 =	simm.s32 @!p0 $0x1082;
	s9 =	sld [smem:$0x3FAE]  }
0x2f: {  	lr =	sadd.s32 s0, s3;
	s0 =	sld [smem:$0x3FA5]  }
0x30: {  	s3 =	sld [smem:$0x3FA8]  }
0x31: {  	[smem:$0x3FB1] =	sst s10  }
0x32: {  	s10 =	sld [smem:$0x3FAF];
	_ =	sdelay $0x3  }
0x33: {  	p0 =	seq.s32 s10, $0x1;
	s10 =	sld [smem:$0x3FB1];
	_ =	sdelay $0x3  }
0x34: {  	[smem:$0x3FB1] =	sst s10  }
0x35: {  	s10 =	sld [smem:$0x3FB0];
	_ =	sdelay $0x3  }
0x36: {  	p1 =	seq.s32 s10, $0x1;
	s10 =	sld [smem:$0x3FB1];
	_ =	sdelay $0x3  }
0x37: {  	[smem:$0x3FB1] =	sst s10  }
0x38: {  	s10 =	sld [smem:$0x3FB2]  }
0x39: {  	_ = 	snop;
	(pc) =	sbr.ind lr, $3  }
0x3a: {  	_ = 	snop  }
0x3b: {  	_ = 	snop  }
0x3c: {  	p2 =	seq.s32 s10, $0x1;
	s10 =	sld [smem:$0x3FB1]  }
0x3d: {  	_ =	shalt  }
0x3e: {  	_ =	shalt  }
0x3f: {  	_ =	shalt  }
0x40: {  	_ =	shalt  }
0x41: {  	_ =	shalt  }
0x42: {  	_ =	shalt  }
0x43: {  	_ =	shalt  }
0x44: {  	_ =	shalt  }
0x45: {  	_ =	shalt  }
0x46: {  	_ =	shalt  }
0x47: {  	_ =	shalt  }
0x48: {  	_ =	shalt  }
0x49: {  	_ =	shalt  }
0x4a: {  	_ =	shalt  }
0x4b: {  	_ =	shalt  }
0x4c: {  	_ =	shalt  }
0x4d: {  	_ =	shalt  }
0x4e: {  	_ =	shalt  }
0x4f: {  	_ =	shalt  }
0x50: {  	_ =	shalt  }
0x51: {  	_ =	shalt  }
0x52: {  	_ =	shalt  }
0x53: {  	_ =	shalt  }
0x54: {  	_ =	shalt  }
0x55: {  	_ =	shalt  }
0x56: {  	_ =	shalt  }
0x57: {  	_ =	shalt  }
0x58: {  	_ =	shalt  }
0x59: {  	_ =	shalt  }
0x5a: {  	_ =	shalt  }
0x5b: {  	_ =	shalt  }
0x5c: {  	_ =	shalt  }
0x5d: {  	_ =	shalt  }
0x5e: {  	_ =	shalt  }
0x5f: {  	_ =	shalt  }
0x60: {  	_ =	shalt  }
0x61: {  	_ =	shalt  }
0x62: {  	_ =	shalt  }
0x63: {  	_ =	shalt  }
0x64: {  	_ =	shalt  }
0x65: {  	_ =	shalt  }
0x66: {  	_ =	shalt  }
0x67: {  	_ =	shalt  }
0x68: {  	_ =	shalt  }
0x69: {  	_ =	shalt  }
0x6a: {  	_ =	shalt  }
0x6b: {  	_ =	shalt  }
0x6c: {  	_ =	shalt  }
0x6d: {  	_ =	shalt  }
0x6e: {  	_ =	shalt  }
0x6f: {  	_ =	shalt  }
0x70: {  	_ =	shalt  }
0x71: {  	_ =	shalt  }
0x72: {  	_ =	shalt  }
0x73: {  	_ =	shalt  }
0x74: {  	_ =	shalt  }
0x75: {  	_ =	shalt  }
0x76: {  	_ =	shalt  }
0x77: {  	_ =	shalt  }
0x78: {  	_ =	shalt  }
0x79: {  	_ =	shalt  }
0x7a: {  	_ =	shalt  }
0x7b: {  	_ =	shalt  }
0x7c: {  	_ =	shalt  }
0x7d: {  	_ =	shalt  }
0x7e: {  	_ =	shalt  }
0x7f: {  	_ =	shalt  }
0x80: {  	_ =	shalt  }
0x81: {  	_ =	shalt  }
0x82: {  	_ =	shalt  }
0x83: {  	_ =	shalt  }
0x84: {  	_ =	shalt  }
0x85: {  	_ =	shalt  }
0x86: {  	_ =	shalt  }
0x87: {  	_ =	shalt  }
.Lfunc_end0:
.L_simem_size_0:
called_computation.1_lowered:
.L_overlay_start_0:
0x88: {  	s2 =	sld [smem:$0x3FD9]  }
0x89: {  	s3 =	sld [smem:$0x3FFE];
	_ =	sdelay $0x1  }
0x8a: {  	s1 =	srdreg.scid  }
0x8b: {  	s0 =	sand.u32 $0x1, s1  }
0x8c: {  	s17 =	sshll.u32 s0, $0xA;
	s2 =	sadd.s32 s3, s2  }
0x8d: {  	s2 =	sadd.s32 s2, s17  }
0x8e: {  	[smem:$0x3FBD] =	sst s2  }
0x8f: {  	_ = 	snop  }
0x90: {  	s2 =	sld [smem:$0x3FD0];
	(tm) =	ssettm $0x1  }
0x91: {  	s18 =	sld [smem:$0x3FFB];
	_ =	sdelay $0x3  }
0x92: {  	_ =	strace s18  }
0x93: {  	s3 =	sld [smem:$0x3FFC];
	_ =	sdelay $0x3  }
0x94: {  	_ =	strace s3  }
0x95: {  	s3 =	sld [smem:$0x3FFD];
	_ =	sdelay $0x3  }
0x96: {  	_ =	strace s3  }
0x97: {  	_ =	strace $0x8FFFFFFF  }
0x98: {  	s19 =	sld [smem:$0x3FDB];
	_ =	sdelay $0x1  }
0x99: {  	s4 =	simm.s32 $_scs_section_size  }
0x9a: {  	s5 =	simm.s32 $_size__tile_overlayer_lowered;
	s6 =	simm.s32 $_tile_overlayer_lowered  }
0x9b: {  	s22 =	simm.s32 $0x1BFF;
	s21 =	sshll.u32 s6, $0x1;
	s3 =	sadd.s32 s4, s19  }
0x9c: {  	s7 =	simm.s32 $0x0;
	s20 =	sshll.u32 s5, $0x1;
	s5 =	sadd.s32 s21, s3  }
0x9d: {  	[timem:s7], [sflag:s22] =	dma.local [hbm:s5], s20  }
0x9e: {  	_ =	swait.ge [sflag:s22], s20  }
0x9f: {  	s4 =	ssub.s32 $0x0, s20;
	[sflag:s22] =	ssyncset.done $0x0  }
0xa0: {  	[sflag:s22] =	ssyncadd.s32 s4;
	_ =	sdelay $0x1  }
0xa1: {  	s23 =	simm.s32 $0x1B8B  }
0xa2: {  	_ =	swait.ge [sflag:s23], $0x1  }
0xa3: {  	[sflag:s23] =	ssyncset.done $0x0  }
0xa4: {  	s25 =	simm.s32 $0x1B8E;
	s24 =	sld [smem:$0x3FFE];
	[sflag:s23] =	ssyncadd.s32 $0xFFFFFFFF  }
0xa5: {  	s26 =	simm.s32 $execute0_lowered;
	[smem:$0x3FD2] =	sst s25  }
0xa6: {  	s5 =	sshll.u32 s26, $0x1;
	_ =	strace $0x80000049;
	[dreg:$0x1] =	wrdreg $0xFFFFFFFF  }
0xa7: {  	s28 =	simm.s32 $_size_execute0_lowered;
	s3 =	sadd.s32 s3, s5;
	[dreg:$0x0] =	wrdreg $0x0  }
0xa8: {  	s5 =	sshll.u32 s28, $0x1;
	[dreg:$0x2] =	wrdreg s3  }
0xa9: {  	[dreg:$0x3] =	wrdreg s5  }
0xaa: {  	[dreg:$0x4] =	wrdreg $0xC0  }
0xab: {  	_ =	task [dreg:s7], $0x5FFFF  }
0xac: {  	[dreg:$0x1] =	wrdreg $0xFFFFFFFF  }
0xad: {  	[dreg:$0x0] =	wrdreg $0x60  }
0xae: {  	[dreg:$0x2] =	wrdreg s24  }
0xaf: {  	[dreg:$0x3] =	wrdreg s2  }
0xb0: {  	[dreg:$0x4] =	wrdreg $0xB0000  }
0xb1: {  	[dreg:$0x5] =	wrdreg $0x9  }
0xb2: {  	_ =	task.clear_ibuf [dreg:s7], $0x6FFFF;
	_ =	strace $0x90000049  }
0xb3: {  	s29 =	simm.s32 $0x9;
	_ =	strace $0x8000004B  }
0xb4: {  	_ =	swait.ge [sflag:s29], $0x1  }
0xb5: {  	[sflag:s29] =	ssyncadd.s32 $0xFFFFFFFF  }
0xb6: {  	_ =	strace $0x9000004B  }
0xb7: {  	_ =	sfence  }
0xb8: {  	s30 =	sld [smem:$0x0];
	_ =	sdelay $0x2  }
0xb9: {  	s31 =	sshll.u32 s1, $0xD;
	s1 =	sshrl.u32 s1, $0x2  }
0xba: {  	s3 =	sand.u32 $0x4000, s31;
	s1 =	sadd.s32 s1, s30  }
0xbb: {  	s0 =	sor.u32 s3, s0;
	s1 =	sshll.u32 s1, $0x11  }
0xbc: {  	s0 =	sor.u32 s1, s0  }
0xbd: {  	s0 =	sadd.s32 $0x8F2B, s0  }
0xbe: {  	[sflag:s0] =	ssyncadd.remote.s32 $0x1  }
0xbf: {  	_ =	sfence.sel $0xFFFF  }
0xc0: {  	[dreg:$0x0] =	wrdreg $0xFFFFFFFF;
	(pc) =	sbr.abs _section_cstart, $3  }
0xc1: {  	[dreg:$0x1] =	wrdreg $0xFFFFFFFF  }
0xc2: {  	_ =	task.clear_ibuf [dreg:s7], $0x2FFFF;
	_ =	strace $0x9FFFFFFF  }
0xc3: {  	(tm) =	ssettm $0x7FFFFFFF  }
tec
execute0_lowered:
.L_overlay_start_1:
0x0: {  	(tag) =	ssettag $0x1  }
0x1: {  	s6 =	rddreg [dreg:$0x0]  }
0x2: {  	s1 =	rddreg [dreg:$0x1]  }
0x3: {  	s3 =	rddreg [dreg:$0x2]  }
0x4: {  	s0 =	rddreg [dreg:$0x3];
	s5 =	srdreg.scid  }
0x5: {  	s4 =	simm.s32 $0x0;
	s2 =	stileid.u32;
	s16 =	simm.s32 $0x2800  }
0x6: {  	s17 =	simm.s32 $0x6800;
	s18 =	simm.s32 $0xA800;
	s19 =	simm.s32 $0x1  }
0x7: {  	s20 =	simm.s32 $0x2;
	s21 =	simm.s32 $0x2700;
	s22 =	simm.s32 $0x2780  }
0x8: {  	s23 =	simm.s32 $0x0;
	s7 =	sand.u32 $0x1, s5;
	s9 =	smul.u32 $0x14000, s2  }
0x9: {  	[smem:$0x7FF] =	sst s4;
	s28 =	sshll.u32 s2, $0x1;
	s29 =	smul.u32 $0x50000, s2  }
0xa: {  	s5 =	sadd.s32 $0x2800, s6;
	s8 =	smul.u32 $0x140000, s7;
	s10 =	sor.u32 s7, s28  }
0xb: {  	s11 =	sadd.s32 $0x47A00, s6;
	s14 =	sadd.s32 $0x3DA00, s6;
	s12 =	smul.u32 $0x500, s10  }
0xc: {  	_ =	strace $0x8000004A;
	s7 =	ssub.s32 $0x2, s7;
	s10 =	smul.u32 $0x2800, s10  }
0xd: {  	s13 =	sshrl.u32 s7, $0x1;
	s30 =	sshrl.u32 s29, $0x2;
	s8 =	sadd.s32 s9, s8  }
0xe: {  	s13 =	ssub.s32 s7, s13;
	s8 =	sshrl.u32 s8, $0x3;
	s31 =	sshrl.u32 s10, $0x3  }
0xf: {  	s7 =	sadd.s32 s14, s12;
	s15 =	sadd.s32 s8, s6;
	s6 =	sadd.s32 s11, s12  }
0x10: {  	s8 =	sadd.s32 s30, s3;
	s10 =	sadd.s32 $0x280, s31;
	s12 =	smax.u32 s13, $0x1  }
0x11: {  	s13 =	simm.s32 $0x3;
	s9 =	sadd.s32 s11, s10;
	s10 =	sadd.s32 s14, s10  }
0x12: {  	s11 =	sadd.s32 $0x51A00, s15;
	s14 =	simm.s32 $0x1400;
	s15 =	simm.s32 $0x80  }
.LBB2_1:
0x13: {  	[tilespmem:s4], [sflag:$0x3] =	stream.linear.gather [hbm4b:s6+s4], $0x1400, $0x38;
	[tilespmem:$0x1F000] =	vst v63  }
0x14: {  	_ =	swait.ge [sflag:s13], $0x1400  }
0x15: {  	[sflag:s13] =	ssyncset.done $0x0  }
0x16: {  	[sflag:s13] =	ssyncadd.s32 $0xFFFFEC00  }
0x17: {  	[tilespmem:s14], [sflag:$0x3] =	stream.linear.gather [hbm4b:s7+s4], $0x1400, $0x38;
	[tilespmem:$0x1F000] =	vst v63  }
0x18: {  	_ =	swait.ge [sflag:s13], $0x1400  }
0x19: {  	[sflag:s13] =	ssyncset.done $0x0  }
0x1a: {  	[sflag:s13] =	ssyncadd.s32 $0xFFFFEC00  }
0x1b: {  	[tilespmem:s16], [sflag:$0x1] =	stream.indirect.gather [hbm4b:s5+s15], $0x80, s4, s15, $0xb8;
	[tilespmem:$0x1F000] =	vst v63  }
0x1c: {  	_ = 	snop  }
0x1d: {  	[tilespmem:s17], [sflag:$0x2] =	stream.indirect.gather [hbm4b:s5+s15], $0x80, s15, s15, $0xb8;
	[tilespmem:$0x1F000] =	vst v63  }
0x1e: {  	_ = 	snop  }
0x1f: {  	[tilespmem:s18], [sflag:$0x3] =	stream.linear.gather [hbm4b:s1+s4], $0x800, $0x38;
	[tilespmem:$0x1F000] =	vst v63  }
0x20: {  	_ =	swait.ge [sflag:s13], $0x800  }
0x21: {  	[sflag:s13] =	ssyncset.done $0x0  }
0x22: {  	s24 =	sadd.s32 $0x0, s8;
	[sflag:s13] =	ssyncadd.s32 $0xFFFFF800  }
0x23: {  	[spmem:s24] =	stream.linear.scatter [tilespmem:s18], [sflag:$0x3], $0x800, $0x38;
	[tilespmem:$0x1F000] =	vst v63  }
0x24: {  	s24 =	simm.s32 $0x2000;
	_ =	swait.ge [sflag:s13], $0x800  }
.LBB2_2:
0x25: {  	s25 =	sshra.s32 s24, $0x2;
	[sflag:s13] =	ssyncset.done $0x0;
	p0 =	sne.s32 s24, $0x4E000  }
.Ltmp0:
0x26: {  	s25 =	sadd.s32 s25, s8;
	[sflag:s13] =	ssyncadd.s32 $0xFFFFF800;
	(pc) =	sbr.rel @p0 .LBB2_2-.Ltmp0, $3  }
0x27: {  	[spmem:s25] =	stream.linear.scatter [tilespmem:s18], [sflag:$0x3], $0x800, $0x38;
	[tilespmem:$0x1F000] =	vst v63  }
0x28: {  	s24 =	sadd.s32 $0x2000, s24;
	_ =	sdelay $0x1  }
0x29: {  	_ =	swait.ge [sflag:s13], $0x800  }
0x2a: {  	[sflag:s13] =	ssyncset.done $0x0  }
0x2b: {  	[sflag:s13] =	ssyncadd.s32 $0xFFFFF800  }
0x2c: {  	[bflag:$0x0] =	sbarrier.arrive $0xFFFF  }
0x2d: {  	_ =	swait.ge [sflag:s19], $0x4000  }
0x2e: {  	[sflag:s19] =	ssyncset.done $0x0  }
0x2f: {  	s24 =	simm.s32 $0x1400;
	[sflag:s19] =	ssyncadd.s32 $0xFFFFC000  }
0x30: {  	[spmem:s3] =	stream.indirect.scatter.add.f32 [tilespmem:s16], [sflag:$0x3], $0x80, s24, s15, $0xb8;
	[tilespmem:$0x1F000] =	vst v63  }
0x31: {  	_ =	swait.ge [sflag:s13], $0x4000  }
0x32: {  	[sflag:s13] =	ssyncset.done $0x0  }
0x33: {  	s30 =	simm.s32 $0x100;
	[sflag:s13] =	ssyncadd.s32 $0xFFFFC000  }
0x34: {  	[tilespmem:s16], [sflag:$0x1] =	stream.indirect.gather [hbm4b:s5+s15], $0x80, s30, s15, $0xb8;
	[tilespmem:$0x1F000] =	vst v63  }
0x35: {  	_ =	swait.ge [sflag:s20], $0x4000  }
0x36: {  	[sflag:s20] =	ssyncset.done $0x0  }
0x37: {  	s31 =	simm.s32 $0x1480;
	[sflag:s20] =	ssyncadd.s32 $0xFFFFC000  }
0x38: {  	[spmem:s3] =	stream.indirect.scatter.add.f32 [tilespmem:s17], [sflag:$0x3], $0x80, s31, s15, $0xb8;
	[tilespmem:$0x1F000] =	vst v63  }
0x39: {  	_ =	swait.ge [sflag:s13], $0x4000  }
0x3a: {  	[sflag:s13] =	ssyncset.done $0x0  }
0x3b: {  	s25 =	simm.s32 $0x180;
	s24 =	simm.s32 $0x400;
	[sflag:s13] =	ssyncadd.s32 $0xFFFFC000  }
.LBB2_4:
0x3c: {  	[tilespmem:s17], [sflag:$0x2] =	stream.indirect.gather [hbm4b:s5+s15], $0x80, s25, s15, $0xb8;
	[tilespmem:$0x1F000] =	vst v63  }
0x3d: {  	s25 =	smov.u32 s24  }
0x3e: {  	p0 =	sne.s32 s24, $0x4800;
	s24 =	sadd.s32 $0x400, s24;
	_ =	swait.ge [sflag:s19], $0x4000  }
0x3f: {  	s25 =	sshra.s32 s25, $0x2;
	[sflag:s19] =	ssyncset.done $0x0  }
0x40: {  	s26 =	sadd.s32 $0x1400, s25;
	[sflag:s19] =	ssyncadd.s32 $0xFFFFC000  }
0x41: {  	[spmem:s3] =	stream.indirect.scatter.add.f32 [tilespmem:s16], [sflag:$0x3], $0x80, s26, s15, $0xb8;
	[tilespmem:$0x1F000] =	vst v63  }
0x42: {  	_ =	swait.ge [sflag:s13], $0x4000  }
0x43: {  	[sflag:s13] =	ssyncset.done $0x0  }
0x44: {  	s26 =	sadd.s32 $0x100, s25;
	[sflag:s13] =	ssyncadd.s32 $0xFFFFC000  }
0x45: {  	[tilespmem:s16], [sflag:$0x1] =	stream.indirect.gather [hbm4b:s5+s15], $0x80, s26, s15, $0xb8;
	[tilespmem:$0x1F000] =	vst v63  }
0x46: {  	_ =	swait.ge [sflag:s20], $0x4000  }
0x47: {  	[sflag:s20] =	ssyncset.done $0x0  }
.Ltmp1:
0x48: {  	s26 =	sadd.s32 $0x1480, s25;
	[sflag:s20] =	ssyncadd.s32 $0xFFFFC000;
	(pc) =	sbr.rel @p0 .LBB2_4-.Ltmp1, $4  }
0x49: {  	[spmem:s3] =	stream.indirect.scatter.add.f32 [tilespmem:s17], [sflag:$0x3], $0x80, s26, s15, $0xb8;
	[tilespmem:$0x1F000] =	vst v63  }
0x4a: {  	_ =	swait.ge [sflag:s13], $0x4000  }
0x4b: {  	[sflag:s13] =	ssyncset.done $0x0  }
0x4c: {  	s25 =	sadd.s32 $0x180, s25;
	[sflag:s13] =	ssyncadd.s32 $0xFFFFC000  }
0x4d: {  	[tilespmem:s17], [sflag:$0x2] =	stream.indirect.gather [hbm4b:s5+s15], $0x80, s25, s15, $0xb8;
	[tilespmem:$0x1F000] =	vst v63  }
0x4e: {  	_ =	swait.ge [sflag:s19], $0x4000  }
0x4f: {  	[sflag:s19] =	ssyncset.done $0x0  }
0x50: {  	[sflag:s19] =	ssyncadd.s32 $0xFFFFC000  }
0x51: {  	[spmem:s3] =	stream.indirect.scatter.add.f32 [tilespmem:s16], [sflag:$0x3], $0x80, s21, s15, $0xb8;
	[tilespmem:$0x1F000] =	vst v63  }
0x52: {  	_ =	swait.ge [sflag:s13], $0x4000  }
0x53: {  	[sflag:s13] =	ssyncset.done $0x0  }
0x54: {  	[sflag:s13] =	ssyncadd.s32 $0xFFFFC000  }
0x55: {  	_ =	swait.ge [sflag:s20], $0x4000  }
0x56: {  	[sflag:s20] =	ssyncset.done $0x0  }
0x57: {  	[sflag:s20] =	ssyncadd.s32 $0xFFFFC000  }
0x58: {  	[spmem:s3] =	stream.indirect.scatter.add.f32 [tilespmem:s17], [sflag:$0x3], $0x80, s22, s15, $0xb8;
	[tilespmem:$0x1F000] =	vst v63  }
0x59: {  	_ =	swait.ge [sflag:s13], $0x4000  }
0x5a: {  	[sflag:s13] =	ssyncset.done $0x0  }
0x5b: {  	s24 =	simm.s32 $0x0;
	[sflag:s13] =	ssyncadd.s32 $0xFFFFC000  }
0x5c: {  	[tilespmem:s24], [sflag:$0x3] =	stream.linear.gather [hbm4b:s9+s24], $0x1400, $0x38;
	[tilespmem:$0x1F000] =	vst v63  }
0x5d: {  	_ =	swait.ge [sflag:s13], $0x1400  }
0x5e: {  	[sflag:s13] =	ssyncset.done $0x0  }
0x5f: {  	[sflag:s13] =	ssyncadd.s32 $0xFFFFEC00  }
0x60: {  	[tilespmem:s14], [sflag:$0x3] =	stream.linear.gather [hbm4b:s10+s24], $0x1400, $0x38;
	[tilespmem:$0x1F000] =	vst v63  }
0x61: {  	_ =	swait.ge [sflag:s13], $0x1400  }
0x62: {  	[sflag:s13] =	ssyncset.done $0x0  }
0x63: {  	[sflag:s13] =	ssyncadd.s32 $0xFFFFEC00  }
0x64: {  	[tilespmem:s16], [sflag:$0x1] =	stream.indirect.gather [hbm4b:s5+s15], $0x80, s24, s15, $0xb8;
	[tilespmem:$0x1F000] =	vst v63  }
0x65: {  	_ = 	snop  }
0x66: {  	[tilespmem:s17], [sflag:$0x2] =	stream.indirect.gather [hbm4b:s5+s15], $0x80, s15, s15, $0xb8;
	[tilespmem:$0x1F000] =	vst v63  }
0x67: {  	_ =	swait.ge [sflag:s19], $0x4000  }
0x68: {  	[sflag:s19] =	ssyncset.done $0x0  }
0x69: {  	s29 =	simm.s32 $0x1400;
	[sflag:s19] =	ssyncadd.s32 $0xFFFFC000  }
0x6a: {  	[spmem:s3] =	stream.indirect.scatter.add.f32 [tilespmem:s16], [sflag:$0x3], $0x80, s29, s15, $0xb8;
	[tilespmem:$0x1F000] =	vst v63  }
0x6b: {  	_ =	swait.ge [sflag:s13], $0x4000  }
0x6c: {  	[sflag:s13] =	ssyncset.done $0x0  }
0x6d: {  	s30 =	simm.s32 $0x100;
	[sflag:s13] =	ssyncadd.s32 $0xFFFFC000  }
0x6e: {  	[tilespmem:s16], [sflag:$0x1] =	stream.indirect.gather [hbm4b:s5+s15], $0x80, s30, s15, $0xb8;
	[tilespmem:$0x1F000] =	vst v63  }
0x6f: {  	_ =	swait.ge [sflag:s20], $0x4000  }
0x70: {  	[sflag:s20] =	ssyncset.done $0x0  }
0x71: {  	s31 =	simm.s32 $0x1480;
	[sflag:s20] =	ssyncadd.s32 $0xFFFFC000  }
0x72: {  	[spmem:s3] =	stream.indirect.scatter.add.f32 [tilespmem:s17], [sflag:$0x3], $0x80, s31, s15, $0xb8;
	[tilespmem:$0x1F000] =	vst v63  }
0x73: {  	_ =	swait.ge [sflag:s13], $0x4000  }
0x74: {  	[sflag:s13] =	ssyncset.done $0x0  }
0x75: {  	s25 =	simm.s32 $0x180;
	s24 =	simm.s32 $0x400;
	[sflag:s13] =	ssyncadd.s32 $0xFFFFC000  }
.LBB2_6:
0x76: {  	[tilespmem:s17], [sflag:$0x2] =	stream.indirect.gather [hbm4b:s5+s15], $0x80, s25, s15, $0xb8;
	[tilespmem:$0x1F000] =	vst v63  }
0x77: {  	s25 =	smov.u32 s24  }
0x78: {  	p0 =	sne.s32 s24, $0x4800;
	s24 =	sadd.s32 $0x400, s24;
	_ =	swait.ge [sflag:s19], $0x4000  }
0x79: {  	s25 =	sshra.s32 s25, $0x2;
	[sflag:s19] =	ssyncset.done $0x0  }
0x7a: {  	s26 =	sadd.s32 $0x1400, s25;
	[sflag:s19] =	ssyncadd.s32 $0xFFFFC000  }
0x7b: {  	[spmem:s3] =	stream.indirect.scatter.add.f32 [tilespmem:s16], [sflag:$0x3], $0x80, s26, s15, $0xb8;
	[tilespmem:$0x1F000] =	vst v63  }
0x7c: {  	_ =	swait.ge [sflag:s13], $0x4000  }
0x7d: {  	[sflag:s13] =	ssyncset.done $0x0  }
0x7e: {  	s26 =	sadd.s32 $0x100, s25;
	[sflag:s13] =	ssyncadd.s32 $0xFFFFC000  }
0x7f: {  	[tilespmem:s16], [sflag:$0x1] =	stream.indirect.gather [hbm4b:s5+s15], $0x80, s26, s15, $0xb8;
	[tilespmem:$0x1F000] =	vst v63  }
0x80: {  	_ =	swait.ge [sflag:s20], $0x4000  }
0x81: {  	[sflag:s20] =	ssyncset.done $0x0  }
.Ltmp2:
0x82: {  	s26 =	sadd.s32 $0x1480, s25;
	[sflag:s20] =	ssyncadd.s32 $0xFFFFC000;
	(pc) =	sbr.rel @p0 .LBB2_6-.Ltmp2, $4  }
0x83: {  	[spmem:s3] =	stream.indirect.scatter.add.f32 [tilespmem:s17], [sflag:$0x3], $0x80, s26, s15, $0xb8;
	[tilespmem:$0x1F000] =	vst v63  }
0x84: {  	_ =	swait.ge [sflag:s13], $0x4000  }
0x85: {  	[sflag:s13] =	ssyncset.done $0x0  }
0x86: {  	s25 =	sadd.s32 $0x180, s25;
	[sflag:s13] =	ssyncadd.s32 $0xFFFFC000  }
0x87: {  	[tilespmem:s17], [sflag:$0x2] =	stream.indirect.gather [hbm4b:s5+s15], $0x80, s25, s15, $0xb8;
	[tilespmem:$0x1F000] =	vst v63  }
0x88: {  	_ =	swait.ge [sflag:s19], $0x4000  }
0x89: {  	[sflag:s19] =	ssyncset.done $0x0  }
0x8a: {  	[sflag:s19] =	ssyncadd.s32 $0xFFFFC000  }
0x8b: {  	[spmem:s3] =	stream.indirect.scatter.add.f32 [tilespmem:s16], [sflag:$0x3], $0x80, s21, s15, $0xb8;
	[tilespmem:$0x1F000] =	vst v63  }
0x8c: {  	_ =	swait.ge [sflag:s13], $0x4000  }
0x8d: {  	[sflag:s13] =	ssyncset.done $0x0  }
0x8e: {  	[sflag:s13] =	ssyncadd.s32 $0xFFFFC000  }
0x8f: {  	_ =	swait.ge [sflag:s20], $0x4000  }
0x90: {  	[sflag:s20] =	ssyncset.done $0x0  }
0x91: {  	[sflag:s20] =	ssyncadd.s32 $0xFFFFC000  }
0x92: {  	[spmem:s3] =	stream.indirect.scatter.add.f32 [tilespmem:s17], [sflag:$0x3], $0x80, s22, s15, $0xb8;
	[tilespmem:$0x1F000] =	vst v63  }
0x93: {  	_ =	swait.ge [sflag:s13], $0x4000  }
0x94: {  	s24 =	sshll.u32 s2, $0x6;
	s23 =	sadd.s32 $0x1, s23;
	[sflag:s13] =	ssyncset.done $0x0  }
0x95: {  	s31 =	sshrl.u32 s8, $0x3;
	p0 =	sne.s32 s23, s12;
	[sflag:s13] =	ssyncadd.s32 $0xFFFFC000  }
.Ltmp3:
0x96: {  	s24 =	sor.u32 $0x1C03, s24;
	[bflag:$0x0] =	sbarrier.arrive $0xFFFF;
	(pc) =	sbr.rel @p0 .LBB2_1-.Ltmp3, $4  }
0x97: {  	[hbm:s11], [sflag:s24] =	dma.local [spmem:s31], $0x2800  }
0x98: {  	_ =	swait.ge [sflag:s13], $0x2800  }
0x99: {  	[sflag:s13] =	ssyncset.done $0x0  }
0x9a: {  	[sflag:s13] =	ssyncadd.s32 $0xFFFFD800  }
0x9b: {  	_ =	sfence.sel $0x180000  }
0x9c: {  	[bflag:$0x0] =	sbarrier.arrive $0xFFFF  }
0x9d: {  	p0 =	sne.s32 s2, $0x0;
	_ =	strace $0x9000004A  }
0x9e: {  	s0 =	sadd.s32 @!p0 $0x100000, s0;
	[bflag:$0x2] =	sbarrier.arrive $0xFFFF  }
0x9f: {  	[sflag:s0] =	ssyncadd.tile.s32 @!p0 $0x1;
	_ =	shalt  }
.Lfunc_end2:
_tile_overlayer_lowered:
.L_overlay_start_2:
0xa0: {  	(tag) =	ssettag $0x2  }
0xa1: {  	s0 =	rddreg [dreg:$0x0];
	s2 =	stileid.u32  }
0xa2: {  	s1 =	rddreg [dreg:$0x1];
	p0 =	sne.s32 s2, $0x0  }
0xa3: {  	s3 =	rddreg [dreg:$0x2];
	[bflag:$0x3] =	sbarrier.arrive $0xFFFF;
	s2 =	simm.s32 @!p0 $0x1C03  }
0xa4: {  	[timem:s3], [sflag:s2] =	dma.local @!p0 [hbm:s0], s1  }
0xa5: {  	s0 =	simm.s32 @!p0 $0x3  }
0xa6: {  	_ =	swait.ge @!p0 [sflag:s0], s1  }
0xa7: {  	s1 =	ssub.s32 @!p0 $0x0, s1;
	[sflag:s0] =	ssyncset.done @!p0 $0x0  }
0xa8: {  	[sflag:s0] =	ssyncadd.s32 @!p0 s1  }
0xa9: {  	[bflag:$0x3] =	sbarrier.arrive $0xFFFF  }
0xaa: {  	_ =	shalt  }

// kernel: kernel.7.cloned.1.call-start
scs
__scs_entry_jumppad:
0x0: {  	(pc) =	sbr.rel $0x88, $3  }
0x1: {  	(tag) =	ssettag $0x0;
	lr =	simm.s32 $0x1  }
0x2: {  	[smem:$0x3F96] =	sst lr;
	_ =	strace $0xD0000000  }
0x3: {  	_ = 	snop  }
0x4: {  	_ = 	snop  }
0x5: {  	_ = 	snop  }
0x6: {  	_ = 	snop  }
0x7: {  	_ = 	snop  }
__scs_overlays_trampoline_lowered:
0x8: {  	[smem:$0x3FA5] =	sst s0  }
0x9: {  	[smem:$0x3FA6] =	sst s1  }
0xa: {  	[smem:$0x3FA7] =	sst s2  }
0xb: {  	[smem:$0x3FA8] =	sst s3  }
0xc: {  	[smem:$0x3FA9] =	sst s4  }
0xd: {  	[smem:$0x3FAA] =	sst s5  }
0xe: {  	[smem:$0x3FAB] =	sst s6  }
0xf: {  	[smem:$0x3FAC] =	sst s7  }
0x10: {  	[smem:$0x3FAD] =	sst s8  }
0x11: {  	[smem:$0x3FAE] =	sst s9;
	s0 =	simm.s32 @!p0 $0x0  }
0x12: {  	s1 =	sld [smem:$0x3F94];
	s0 =	simm.s32 @p0 $0x1  }
0x13: {  	[smem:$0x3FAF] =	sst s0;
	s0 =	simm.s32 @!p1 $0x0  }
0x14: {  	s2 =	sld [smem:$0x3F93];
	s0 =	simm.s32 @p1 $0x1  }
0x15: {  	[smem:$0x3FB0] =	sst s0;
	s0 =	simm.s32 @!p2 $0x0  }
0x16: {  	s3 =	sld [smem:$0x3FDB];
	s0 =	simm.s32 @p2 $0x1  }
0x17: {  	s4 =	simm.s32 $0x1BF5;
	[smem:$0x3FB2] =	sst s0  }
0x18: {  	s0 =	sld [smem:$0x3F95];
	_ =	swait.ge [sflag:s4], $0x0  }
0x19: {  	s7 =	sld [smem:$0x3F96]  }
0x1a: {  	s8 =	sadd.s32 $0xFFFFE003, lr  }
0x1b: {  	s9 =	sadd.s32 $0xFFFFFEF7, lr;
	s5 =	simm.s32 $0xFFFFFFFF;
	p2 =	slt.u32 s8, $0xFFFFF086  }
0x1c: {  	p1 =	slt.u32 s9, $0xF7A;
	s5 =	simm.s32 @!p2 $0x0  }
0x1d: {  	s5 =	simm.s32 @p1 $0x1;
	p0 =	seq.s32 s7, s2  }
0x1e: {  	s7 =	smul.u32 @!p0 $0xF7A, s2;
	p2 =	seq.s32 @!p0 s5, $0x0  }
0x1f: {  	s9 =	smul.u32 $0xF7A, s1;
	s8 =	simm.s32 @!p0 $0x1BF5;
	p2 =	por !p2, p0  }
0x20: {  	[sflag:s8] =	ssyncset.s32 @!p0 $0xFFFFF086;
	s6 =	sadd.s32 @!p0 s3, s7;
	s7 =	simm.s32 @!p0 $0x108  }
0x21: {  	s3 =	sadd.s32 s3, s9;
	s6 =	sadd.s32 @!p0 $0x88, s6;
	s7 =	simm.s32 @p2 $0x1082  }
0x22: {  	[simem:s7], [sflag:s8] =	dma.local @!p0 [hbm:s6], $0xF7A  }
0x23: {  	s9 =	sor.u32 $0xD0000000, s2;
	s6 =	simm.s32 $0x108;
	_ =	swait.ge @!p0 [sflag:s8], $0x0  }
0x24: {  	s3 =	sadd.s32 $0x88, s3;
	s6 =	simm.s32 @!p1 $0x1082;
	[sflag:s4] =	ssyncset.s32 $0xFFFFF086  }
0x25: {  	[simem:s6], [sflag:s4] =	dma.local [hbm:s3], $0xF7A  }
0x26: {  	[smem:$0x3F96] =	sst s1;
	(tag) =	ssettag s2;
	_ =	strace s9  }
0x27: {  	s1 =	sld [smem:$0x3FA6]  }
0x28: {  	s2 =	sld [smem:$0x3FA7]  }
0x29: {  	s4 =	sld [smem:$0x3FA9]  }
0x2a: {  	p0 =	seq.s32 s5, $0x0;
	s5 =	sld [smem:$0x3FAA]  }
0x2b: {  	s6 =	sld [smem:$0x3FAB]  }
0x2c: {  	s7 =	sld [smem:$0x3FAC]  }
0x2d: {  	s3 =	simm.s32 $0x108;
	s8 =	sld [smem:$0x3FAD]  }
0x2e: {  	s3 =	simm.s32 @!p0 $0x1082;
	s9 =	sld [smem:$0x3FAE]  }
0x2f: {  	lr =	sadd.s32 s0, s3;
	s0 =	sld [smem:$0x3FA5]  }
0x30: {  	s3 =	sld [smem:$0x3FA8]  }
0x31: {  	[smem:$0x3FB1] =	sst s10  }
0x32: {  	s10 =	sld [smem:$0x3FAF];
	_ =	sdelay $0x3  }
0x33: {  	p0 =	seq.s32 s10, $0x1;
	s10 =	sld [smem:$0x3FB1];
	_ =	sdelay $0x3  }
0x34: {  	[smem:$0x3FB1] =	sst s10  }
0x35: {  	s10 =	sld [smem:$0x3FB0];
	_ =	sdelay $0x3  }
0x36: {  	p1 =	seq.s32 s10, $0x1;
	s10 =	sld [smem:$0x3FB1];
	_ =	sdelay $0x3  }
0x37: {  	[smem:$0x3FB1] =	sst s10  }
0x38: {  	s10 =	sld [smem:$0x3FB2]  }
0x39: {  	_ = 	snop;
	(pc) =	sbr.ind lr, $3  }
0x3a: {  	_ = 	snop  }
0x3b: {  	_ = 	snop  }
0x3c: {  	p2 =	seq.s32 s10, $0x1;
	s10 =	sld [smem:$0x3FB1]  }
0x3d: {  	_ =	shalt  }
0x3e: {  	_ =	shalt  }
0x3f: {  	_ =	shalt  }
0x40: {  	_ =	shalt  }
0x41: {  	_ =	shalt  }
0x42: {  	_ =	shalt  }
0x43: {  	_ =	shalt  }
0x44: {  	_ =	shalt  }
0x45: {  	_ =	shalt  }
0x46: {  	_ =	shalt  }
0x47: {  	_ =	shalt  }
0x48: {  	_ =	shalt  }
0x49: {  	_ =	shalt  }
0x4a: {  	_ =	shalt  }
0x4b: {  	_ =	shalt  }
0x4c: {  	_ =	shalt  }
0x4d: {  	_ =	shalt  }
0x4e: {  	_ =	shalt  }
0x4f: {  	_ =	shalt  }
0x50: {  	_ =	shalt  }
0x51: {  	_ =	shalt  }
0x52: {  	_ =	shalt  }
0x53: {  	_ =	shalt  }
0x54: {  	_ =	shalt  }
0x55: {  	_ =	shalt  }
0x56: {  	_ =	shalt  }
0x57: {  	_ =	shalt  }
0x58: {  	_ =	shalt  }
0x59: {  	_ =	shalt  }
0x5a: {  	_ =	shalt  }
0x5b: {  	_ =	shalt  }
0x5c: {  	_ =	shalt  }
0x5d: {  	_ =	shalt  }
0x5e: {  	_ =	shalt  }
0x5f: {  	_ =	shalt  }
0x60: {  	_ =	shalt  }
0x61: {  	_ =	shalt  }
0x62: {  	_ =	shalt  }
0x63: {  	_ =	shalt  }
0x64: {  	_ =	shalt  }
0x65: {  	_ =	shalt  }
0x66: {  	_ =	shalt  }
0x67: {  	_ =	shalt  }
0x68: {  	_ =	shalt  }
0x69: {  	_ =	shalt  }
0x6a: {  	_ =	shalt  }
0x6b: {  	_ =	shalt  }
0x6c: {  	_ =	shalt  }
0x6d: {  	_ =	shalt  }
0x6e: {  	_ =	shalt  }
0x6f: {  	_ =	shalt  }
0x70: {  	_ =	shalt  }
0x71: {  	_ =	shalt  }
0x72: {  	_ =	shalt  }
0x73: {  	_ =	shalt  }
0x74: {  	_ =	shalt  }
0x75: {  	_ =	shalt  }
0x76: {  	_ =	shalt  }
0x77: {  	_ =	shalt  }
0x78: {  	_ =	shalt  }
0x79: {  	_ =	shalt  }
0x7a: {  	_ =	shalt  }
0x7b: {  	_ =	shalt  }
0x7c: {  	_ =	shalt  }
0x7d: {  	_ =	shalt  }
0x7e: {  	_ =	shalt  }
0x7f: {  	_ =	shalt  }
0x80: {  	_ =	shalt  }
0x81: {  	_ =	shalt  }
0x82: {  	_ =	shalt  }
0x83: {  	_ =	shalt  }
0x84: {  	_ =	shalt  }
0x85: {  	_ =	shalt  }
0x86: {  	_ =	shalt  }
0x87: {  	_ =	shalt  }
.Lfunc_end0:
.L_simem_size_0:
called_computation_lowered:
.L_overlay_start_0:
0x88: {  	s2 =	sld [smem:$0x3FD9]  }
0x89: {  	s3 =	sld [smem:$0x3FFE];
	_ =	sdelay $0x1  }
0x8a: {  	s1 =	srdreg.scid  }
0x8b: {  	s0 =	sand.u32 $0x1, s1  }
0x8c: {  	s17 =	sshll.u32 s0, $0xA;
	s2 =	sadd.s32 s3, s2  }
0x8d: {  	s2 =	sadd.s32 s2, s17  }
0x8e: {  	[smem:$0x3FBD] =	sst s2  }
0x8f: {  	_ = 	snop  }
0x90: {  	s2 =	sld [smem:$0x3FD0];
	(tm) =	ssettm $0x1  }
0x91: {  	s18 =	sld [smem:$0x3FFB];
	_ =	sdelay $0x3  }
0x92: {  	_ =	strace s18  }
0x93: {  	s3 =	sld [smem:$0x3FFC];
	_ =	sdelay $0x3  }
0x94: {  	_ =	strace s3  }
0x95: {  	s3 =	sld [smem:$0x3FFD];
	_ =	sdelay $0x3  }
0x96: {  	_ =	strace s3  }
0x97: {  	_ =	strace $0x8FFFFFFF  }
0x98: {  	s19 =	sld [smem:$0x3FDB];
	_ =	sdelay $0x1  }
0x99: {  	s4 =	simm.s32 $_scs_section_size  }
0x9a: {  	s5 =	simm.s32 $_size__tile_overlayer_lowered;
	s6 =	simm.s32 $_tile_overlayer_lowered  }
0x9b: {  	s22 =	simm.s32 $0x1BFF;
	s21 =	sshll.u32 s6, $0x1;
	s3 =	sadd.s32 s4, s19  }
0x9c: {  	s7 =	simm.s32 $0x0;
	s20 =	sshll.u32 s5, $0x1;
	s5 =	sadd.s32 s21, s3  }
0x9d: {  	[timem:s7], [sflag:s22] =	dma.local [hbm:s5], s20  }
0x9e: {  	_ =	swait.ge [sflag:s22], s20  }
0x9f: {  	s4 =	ssub.s32 $0x0, s20;
	[sflag:s22] =	ssyncset.done $0x0  }
0xa0: {  	[sflag:s22] =	ssyncadd.s32 s4;
	_ =	sdelay $0x1  }
0xa1: {  	s23 =	simm.s32 $0x1B8B  }
0xa2: {  	_ =	swait.ge [sflag:s23], $0x1  }
0xa3: {  	[sflag:s23] =	ssyncset.done $0x0  }
0xa4: {  	s25 =	simm.s32 $0x1B8E;
	s24 =	sld [smem:$0x3FFE];
	[sflag:s23] =	ssyncadd.s32 $0xFFFFFFFF  }
0xa5: {  	s26 =	simm.s32 $execute0_lowered;
	[smem:$0x3FD2] =	sst s25  }
0xa6: {  	s5 =	sshll.u32 s26, $0x1;
	_ =	strace $0x80000046;
	[dreg:$0x1] =	wrdreg $0xFFFFFFFF  }
0xa7: {  	s28 =	simm.s32 $_size_execute0_lowered;
	s3 =	sadd.s32 s3, s5;
	[dreg:$0x0] =	wrdreg $0x0  }
0xa8: {  	s5 =	sshll.u32 s28, $0x1;
	[dreg:$0x2] =	wrdreg s3  }
0xa9: {  	[dreg:$0x3] =	wrdreg s5  }
0xaa: {  	[dreg:$0x4] =	wrdreg $0xC0  }
0xab: {  	_ =	task [dreg:s7], $0x5FFFF  }
0xac: {  	[dreg:$0x1] =	wrdreg $0xFFFFFFFF  }
0xad: {  	[dreg:$0x0] =	wrdreg $0x60  }
0xae: {  	[dreg:$0x2] =	wrdreg s24  }
0xaf: {  	[dreg:$0x3] =	wrdreg s2  }
0xb0: {  	[dreg:$0x4] =	wrdreg $0xB0000  }
0xb1: {  	[dreg:$0x5] =	wrdreg $0x9  }
0xb2: {  	_ =	task.clear_ibuf [dreg:s7], $0x6FFFF;
	_ =	strace $0x90000046  }
0xb3: {  	s29 =	simm.s32 $0x9;
	_ =	strace $0x80000048  }
0xb4: {  	_ =	swait.ge [sflag:s29], $0x1  }
0xb5: {  	[sflag:s29] =	ssyncadd.s32 $0xFFFFFFFF  }
0xb6: {  	_ =	strace $0x90000048  }
0xb7: {  	_ =	sfence  }
0xb8: {  	s30 =	sld [smem:$0x0];
	_ =	sdelay $0x2  }
0xb9: {  	s31 =	sshll.u32 s1, $0xD;
	s1 =	sshrl.u32 s1, $0x2  }
0xba: {  	s3 =	sand.u32 $0x4000, s31;
	s1 =	sadd.s32 s1, s30  }
0xbb: {  	s0 =	sor.u32 s3, s0;
	s1 =	sshll.u32 s1, $0x11  }
0xbc: {  	s0 =	sor.u32 s1, s0  }
0xbd: {  	s0 =	sadd.s32 $0x8F2B, s0  }
0xbe: {  	[sflag:s0] =	ssyncadd.remote.s32 $0x1  }
0xbf: {  	_ =	sfence.sel $0xFFFF  }
0xc0: {  	[dreg:$0x0] =	wrdreg $0xFFFFFFFF;
	(pc) =	sbr.abs _section_cstart, $3  }
0xc1: {  	[dreg:$0x1] =	wrdreg $0xFFFFFFFF  }
0xc2: {  	_ =	task.clear_ibuf [dreg:s7], $0x2FFFF;
	_ =	strace $0x9FFFFFFF  }
0xc3: {  	(tm) =	ssettm $0x7FFFFFFF  }
tec
execute0_lowered:
.L_overlay_start_1:
0x0: {  	(tag) =	ssettag $0x1  }
0x1: {  	s6 =	rddreg [dreg:$0x0]  }
0x2: {  	s1 =	rddreg [dreg:$0x1]  }
0x3: {  	s3 =	rddreg [dreg:$0x2]  }
0x4: {  	s0 =	rddreg [dreg:$0x3];
	s5 =	srdreg.scid  }
0x5: {  	s4 =	simm.s32 $0x0;
	s2 =	stileid.u32;
	s16 =	simm.s32 $0x2800  }
0x6: {  	s17 =	simm.s32 $0x6800;
	s18 =	simm.s32 $0xA800;
	s19 =	simm.s32 $0x1  }
0x7: {  	s20 =	simm.s32 $0x2;
	s21 =	simm.s32 $0x2700;
	s22 =	simm.s32 $0x2780  }
0x8: {  	s23 =	simm.s32 $0x0;
	s7 =	sand.u32 $0x1, s5;
	s9 =	smul.u32 $0x14000, s2  }
0x9: {  	[smem:$0x7FF] =	sst s4;
	s28 =	sshll.u32 s2, $0x1;
	s29 =	smul.u32 $0x50000, s2  }
0xa: {  	s5 =	sadd.s32 $0x2800, s6;
	s8 =	smul.u32 $0x140000, s7;
	s10 =	sor.u32 s7, s28  }
0xb: {  	s11 =	sadd.s32 $0x33A00, s6;
	s14 =	sadd.s32 $0x29A00, s6;
	s12 =	smul.u32 $0x500, s10  }
0xc: {  	_ =	strace $0x80000047;
	s7 =	ssub.s32 $0x2, s7;
	s10 =	smul.u32 $0x2800, s10  }
0xd: {  	s13 =	sshrl.u32 s7, $0x1;
	s30 =	sshrl.u32 s29, $0x2;
	s8 =	sadd.s32 s9, s8  }
0xe: {  	s13 =	ssub.s32 s7, s13;
	s8 =	sshrl.u32 s8, $0x3;
	s31 =	sshrl.u32 s10, $0x3  }
0xf: {  	s7 =	sadd.s32 s14, s12;
	s15 =	sadd.s32 s8, s6;
	s6 =	sadd.s32 s11, s12  }
0x10: {  	s8 =	sadd.s32 s30, s3;
	s10 =	sadd.s32 $0x280, s31;
	s12 =	smax.u32 s13, $0x1  }
0x11: {  	s13 =	simm.s32 $0x3;
	s9 =	sadd.s32 s11, s10;
	s10 =	sadd.s32 s14, s10  }
0x12: {  	s11 =	sadd.s32 $0x51A00, s15;
	s14 =	simm.s32 $0x1400;
	s15 =	simm.s32 $0x80  }
.LBB2_1:
0x13: {  	[tilespmem:s4], [sflag:$0x3] =	stream.linear.gather [hbm4b:s6+s4], $0x1400, $0x38;
	[tilespmem:$0x1F000] =	vst v63  }
0x14: {  	_ =	swait.ge [sflag:s13], $0x1400  }
0x15: {  	[sflag:s13] =	ssyncset.done $0x0  }
0x16: {  	[sflag:s13] =	ssyncadd.s32 $0xFFFFEC00  }
0x17: {  	[tilespmem:s14], [sflag:$0x3] =	stream.linear.gather [hbm4b:s7+s4], $0x1400, $0x38;
	[tilespmem:$0x1F000] =	vst v63  }
0x18: {  	_ =	swait.ge [sflag:s13], $0x1400  }
0x19: {  	[sflag:s13] =	ssyncset.done $0x0  }
0x1a: {  	[sflag:s13] =	ssyncadd.s32 $0xFFFFEC00  }
0x1b: {  	[tilespmem:s16], [sflag:$0x1] =	stream.indirect.gather [hbm4b:s5+s15], $0x80, s4, s15, $0xb8;
	[tilespmem:$0x1F000] =	vst v63  }
0x1c: {  	_ = 	snop  }
0x1d: {  	[tilespmem:s17], [sflag:$0x2] =	stream.indirect.gather [hbm4b:s5+s15], $0x80, s15, s15, $0xb8;
	[tilespmem:$0x1F000] =	vst v63  }
0x1e: {  	_ = 	snop  }
0x1f: {  	[tilespmem:s18], [sflag:$0x3] =	stream.linear.gather [hbm4b:s1+s4], $0x800, $0x38;
	[tilespmem:$0x1F000] =	vst v63  }
0x20: {  	_ =	swait.ge [sflag:s13], $0x800  }
0x21: {  	[sflag:s13] =	ssyncset.done $0x0  }
0x22: {  	s24 =	sadd.s32 $0x0, s8;
	[sflag:s13] =	ssyncadd.s32 $0xFFFFF800  }
0x23: {  	[spmem:s24] =	stream.linear.scatter [tilespmem:s18], [sflag:$0x3], $0x800, $0x38;
	[tilespmem:$0x1F000] =	vst v63  }
0x24: {  	s24 =	simm.s32 $0x2000;
	_ =	swait.ge [sflag:s13], $0x800  }
.LBB2_2:
0x25: {  	s25 =	sshra.s32 s24, $0x2;
	[sflag:s13] =	ssyncset.done $0x0;
	p0 =	sne.s32 s24, $0x4E000  }
.Ltmp0:
0x26: {  	s25 =	sadd.s32 s25, s8;
	[sflag:s13] =	ssyncadd.s32 $0xFFFFF800;
	(pc) =	sbr.rel @p0 .LBB2_2-.Ltmp0, $3  }
0x27: {  	[spmem:s25] =	stream.linear.scatter [tilespmem:s18], [sflag:$0x3], $0x800, $0x38;
	[tilespmem:$0x1F000] =	vst v63  }
0x28: {  	s24 =	sadd.s32 $0x2000, s24;
	_ =	sdelay $0x1  }
0x29: {  	_ =	swait.ge [sflag:s13], $0x800  }
0x2a: {  	[sflag:s13] =	ssyncset.done $0x0  }
0x2b: {  	[sflag:s13] =	ssyncadd.s32 $0xFFFFF800  }
0x2c: {  	[bflag:$0x0] =	sbarrier.arrive $0xFFFF  }
0x2d: {  	_ =	swait.ge [sflag:s19], $0x4000  }
0x2e: {  	[sflag:s19] =	ssyncset.done $0x0  }
0x2f: {  	s24 =	simm.s32 $0x1400;
	[sflag:s19] =	ssyncadd.s32 $0xFFFFC000  }
0x30: {  	[spmem:s3] =	stream.indirect.scatter.add.f32 [tilespmem:s16], [sflag:$0x3], $0x80, s24, s15, $0xb8;
	[tilespmem:$0x1F000] =	vst v63  }
0x31: {  	_ =	swait.ge [sflag:s13], $0x4000  }
0x32: {  	[sflag:s13] =	ssyncset.done $0x0  }
0x33: {  	s30 =	simm.s32 $0x100;
	[sflag:s13] =	ssyncadd.s32 $0xFFFFC000  }
0x34: {  	[tilespmem:s16], [sflag:$0x1] =	stream.indirect.gather [hbm4b:s5+s15], $0x80, s30, s15, $0xb8;
	[tilespmem:$0x1F000] =	vst v63  }
0x35: {  	_ =	swait.ge [sflag:s20], $0x4000  }
0x36: {  	[sflag:s20] =	ssyncset.done $0x0  }
0x37: {  	s31 =	simm.s32 $0x1480;
	[sflag:s20] =	ssyncadd.s32 $0xFFFFC000  }
0x38: {  	[spmem:s3] =	stream.indirect.scatter.add.f32 [tilespmem:s17], [sflag:$0x3], $0x80, s31, s15, $0xb8;
	[tilespmem:$0x1F000] =	vst v63  }
0x39: {  	_ =	swait.ge [sflag:s13], $0x4000  }
0x3a: {  	[sflag:s13] =	ssyncset.done $0x0  }
0x3b: {  	s25 =	simm.s32 $0x180;
	s24 =	simm.s32 $0x400;
	[sflag:s13] =	ssyncadd.s32 $0xFFFFC000  }
.LBB2_4:
0x3c: {  	[tilespmem:s17], [sflag:$0x2] =	stream.indirect.gather [hbm4b:s5+s15], $0x80, s25, s15, $0xb8;
	[tilespmem:$0x1F000] =	vst v63  }
0x3d: {  	s25 =	smov.u32 s24  }
0x3e: {  	p0 =	sne.s32 s24, $0x4800;
	s24 =	sadd.s32 $0x400, s24;
	_ =	swait.ge [sflag:s19], $0x4000  }
0x3f: {  	s25 =	sshra.s32 s25, $0x2;
	[sflag:s19] =	ssyncset.done $0x0  }
0x40: {  	s26 =	sadd.s32 $0x1400, s25;
	[sflag:s19] =	ssyncadd.s32 $0xFFFFC000  }
0x41: {  	[spmem:s3] =	stream.indirect.scatter.add.f32 [tilespmem:s16], [sflag:$0x3], $0x80, s26, s15, $0xb8;
	[tilespmem:$0x1F000] =	vst v63  }
0x42: {  	_ =	swait.ge [sflag:s13], $0x4000  }
0x43: {  	[sflag:s13] =	ssyncset.done $0x0  }
0x44: {  	s26 =	sadd.s32 $0x100, s25;
	[sflag:s13] =	ssyncadd.s32 $0xFFFFC000  }
0x45: {  	[tilespmem:s16], [sflag:$0x1] =	stream.indirect.gather [hbm4b:s5+s15], $0x80, s26, s15, $0xb8;
	[tilespmem:$0x1F000] =	vst v63  }
0x46: {  	_ =	swait.ge [sflag:s20], $0x4000  }
0x47: {  	[sflag:s20] =	ssyncset.done $0x0  }
.Ltmp1:
0x48: {  	s26 =	sadd.s32 $0x1480, s25;
	[sflag:s20] =	ssyncadd.s32 $0xFFFFC000;
	(pc) =	sbr.rel @p0 .LBB2_4-.Ltmp1, $4  }
0x49: {  	[spmem:s3] =	stream.indirect.scatter.add.f32 [tilespmem:s17], [sflag:$0x3], $0x80, s26, s15, $0xb8;
	[tilespmem:$0x1F000] =	vst v63  }
0x4a: {  	_ =	swait.ge [sflag:s13], $0x4000  }
0x4b: {  	[sflag:s13] =	ssyncset.done $0x0  }
0x4c: {  	s25 =	sadd.s32 $0x180, s25;
	[sflag:s13] =	ssyncadd.s32 $0xFFFFC000  }
0x4d: {  	[tilespmem:s17], [sflag:$0x2] =	stream.indirect.gather [hbm4b:s5+s15], $0x80, s25, s15, $0xb8;
	[tilespmem:$0x1F000] =	vst v63  }
0x4e: {  	_ =	swait.ge [sflag:s19], $0x4000  }
0x4f: {  	[sflag:s19] =	ssyncset.done $0x0  }
0x50: {  	[sflag:s19] =	ssyncadd.s32 $0xFFFFC000  }
0x51: {  	[spmem:s3] =	stream.indirect.scatter.add.f32 [tilespmem:s16], [sflag:$0x3], $0x80, s21, s15, $0xb8;
	[tilespmem:$0x1F000] =	vst v63  }
0x52: {  	_ =	swait.ge [sflag:s13], $0x4000  }
0x53: {  	[sflag:s13] =	ssyncset.done $0x0  }
0x54: {  	[sflag:s13] =	ssyncadd.s32 $0xFFFFC000  }
0x55: {  	_ =	swait.ge [sflag:s20], $0x4000  }
0x56: {  	[sflag:s20] =	ssyncset.done $0x0  }
0x57: {  	[sflag:s20] =	ssyncadd.s32 $0xFFFFC000  }
0x58: {  	[spmem:s3] =	stream.indirect.scatter.add.f32 [tilespmem:s17], [sflag:$0x3], $0x80, s22, s15, $0xb8;
	[tilespmem:$0x1F000] =	vst v63  }
0x59: {  	_ =	swait.ge [sflag:s13], $0x4000  }
0x5a: {  	[sflag:s13] =	ssyncset.done $0x0  }
0x5b: {  	s24 =	simm.s32 $0x0;
	[sflag:s13] =	ssyncadd.s32 $0xFFFFC000  }
0x5c: {  	[tilespmem:s24], [sflag:$0x3] =	stream.linear.gather [hbm4b:s9+s24], $0x1400, $0x38;
	[tilespmem:$0x1F000] =	vst v63  }
0x5d: {  	_ =	swait.ge [sflag:s13], $0x1400  }
0x5e: {  	[sflag:s13] =	ssyncset.done $0x0  }
0x5f: {  	[sflag:s13] =	ssyncadd.s32 $0xFFFFEC00  }
0x60: {  	[tilespmem:s14], [sflag:$0x3] =	stream.linear.gather [hbm4b:s10+s24], $0x1400, $0x38;
	[tilespmem:$0x1F000] =	vst v63  }
0x61: {  	_ =	swait.ge [sflag:s13], $0x1400  }
0x62: {  	[sflag:s13] =	ssyncset.done $0x0  }
0x63: {  	[sflag:s13] =	ssyncadd.s32 $0xFFFFEC00  }
0x64: {  	[tilespmem:s16], [sflag:$0x1] =	stream.indirect.gather [hbm4b:s5+s15], $0x80, s24, s15, $0xb8;
	[tilespmem:$0x1F000] =	vst v63  }
0x65: {  	_ = 	snop  }
0x66: {  	[tilespmem:s17], [sflag:$0x2] =	stream.indirect.gather [hbm4b:s5+s15], $0x80, s15, s15, $0xb8;
	[tilespmem:$0x1F000] =	vst v63  }
0x67: {  	_ =	swait.ge [sflag:s19], $0x4000  }
0x68: {  	[sflag:s19] =	ssyncset.done $0x0  }
0x69: {  	s29 =	simm.s32 $0x1400;
	[sflag:s19] =	ssyncadd.s32 $0xFFFFC000  }
0x6a: {  	[spmem:s3] =	stream.indirect.scatter.add.f32 [tilespmem:s16], [sflag:$0x3], $0x80, s29, s15, $0xb8;
	[tilespmem:$0x1F000] =	vst v63  }
0x6b: {  	_ =	swait.ge [sflag:s13], $0x4000  }
0x6c: {  	[sflag:s13] =	ssyncset.done $0x0  }
0x6d: {  	s30 =	simm.s32 $0x100;
	[sflag:s13] =	ssyncadd.s32 $0xFFFFC000  }
0x6e: {  	[tilespmem:s16], [sflag:$0x1] =	stream.indirect.gather [hbm4b:s5+s15], $0x80, s30, s15, $0xb8;
	[tilespmem:$0x1F000] =	vst v63  }
0x6f: {  	_ =	swait.ge [sflag:s20], $0x4000  }
0x70: {  	[sflag:s20] =	ssyncset.done $0x0  }
0x71: {  	s31 =	simm.s32 $0x1480;
	[sflag:s20] =	ssyncadd.s32 $0xFFFFC000  }
0x72: {  	[spmem:s3] =	stream.indirect.scatter.add.f32 [tilespmem:s17], [sflag:$0x3], $0x80, s31, s15, $0xb8;
	[tilespmem:$0x1F000] =	vst v63  }
0x73: {  	_ =	swait.ge [sflag:s13], $0x4000  }
0x74: {  	[sflag:s13] =	ssyncset.done $0x0  }
0x75: {  	s25 =	simm.s32 $0x180;
	s24 =	simm.s32 $0x400;
	[sflag:s13] =	ssyncadd.s32 $0xFFFFC000  }
.LBB2_6:
0x76: {  	[tilespmem:s17], [sflag:$0x2] =	stream.indirect.gather [hbm4b:s5+s15], $0x80, s25, s15, $0xb8;
	[tilespmem:$0x1F000] =	vst v63  }
0x77: {  	s25 =	smov.u32 s24  }
0x78: {  	p0 =	sne.s32 s24, $0x4800;
	s24 =	sadd.s32 $0x400, s24;
	_ =	swait.ge [sflag:s19], $0x4000  }
0x79: {  	s25 =	sshra.s32 s25, $0x2;
	[sflag:s19] =	ssyncset.done $0x0  }
0x7a: {  	s26 =	sadd.s32 $0x1400, s25;
	[sflag:s19] =	ssyncadd.s32 $0xFFFFC000  }
0x7b: {  	[spmem:s3] =	stream.indirect.scatter.add.f32 [tilespmem:s16], [sflag:$0x3], $0x80, s26, s15, $0xb8;
	[tilespmem:$0x1F000] =	vst v63  }
0x7c: {  	_ =	swait.ge [sflag:s13], $0x4000  }
0x7d: {  	[sflag:s13] =	ssyncset.done $0x0  }
0x7e: {  	s26 =	sadd.s32 $0x100, s25;
	[sflag:s13] =	ssyncadd.s32 $0xFFFFC000  }
0x7f: {  	[tilespmem:s16], [sflag:$0x1] =	stream.indirect.gather [hbm4b:s5+s15], $0x80, s26, s15, $0xb8;
	[tilespmem:$0x1F000] =	vst v63  }
0x80: {  	_ =	swait.ge [sflag:s20], $0x4000  }
0x81: {  	[sflag:s20] =	ssyncset.done $0x0  }
.Ltmp2:
0x82: {  	s26 =	sadd.s32 $0x1480, s25;
	[sflag:s20] =	ssyncadd.s32 $0xFFFFC000;
	(pc) =	sbr.rel @p0 .LBB2_6-.Ltmp2, $4  }
0x83: {  	[spmem:s3] =	stream.indirect.scatter.add.f32 [tilespmem:s17], [sflag:$0x3], $0x80, s26, s15, $0xb8;
	[tilespmem:$0x1F000] =	vst v63  }
0x84: {  	_ =	swait.ge [sflag:s13], $0x4000  }
0x85: {  	[sflag:s13] =	ssyncset.done $0x0  }
0x86: {  	s25 =	sadd.s32 $0x180, s25;
	[sflag:s13] =	ssyncadd.s32 $0xFFFFC000  }
0x87: {  	[tilespmem:s17], [sflag:$0x2] =	stream.indirect.gather [hbm4b:s5+s15], $0x80, s25, s15, $0xb8;
	[tilespmem:$0x1F000] =	vst v63  }
0x88: {  	_ =	swait.ge [sflag:s19], $0x4000  }
0x89: {  	[sflag:s19] =	ssyncset.done $0x0  }
0x8a: {  	[sflag:s19] =	ssyncadd.s32 $0xFFFFC000  }
0x8b: {  	[spmem:s3] =	stream.indirect.scatter.add.f32 [tilespmem:s16], [sflag:$0x3], $0x80, s21, s15, $0xb8;
	[tilespmem:$0x1F000] =	vst v63  }
0x8c: {  	_ =	swait.ge [sflag:s13], $0x4000  }
0x8d: {  	[sflag:s13] =	ssyncset.done $0x0  }
0x8e: {  	[sflag:s13] =	ssyncadd.s32 $0xFFFFC000  }
0x8f: {  	_ =	swait.ge [sflag:s20], $0x4000  }
0x90: {  	[sflag:s20] =	ssyncset.done $0x0  }
0x91: {  	[sflag:s20] =	ssyncadd.s32 $0xFFFFC000  }
0x92: {  	[spmem:s3] =	stream.indirect.scatter.add.f32 [tilespmem:s17], [sflag:$0x3], $0x80, s22, s15, $0xb8;
	[tilespmem:$0x1F000] =	vst v63  }
0x93: {  	_ =	swait.ge [sflag:s13], $0x4000  }
0x94: {  	s24 =	sshll.u32 s2, $0x6;
	s23 =	sadd.s32 $0x1, s23;
	[sflag:s13] =	ssyncset.done $0x0  }
0x95: {  	s31 =	sshrl.u32 s8, $0x3;
	p0 =	sne.s32 s23, s12;
	[sflag:s13] =	ssyncadd.s32 $0xFFFFC000  }
.Ltmp3:
0x96: {  	s24 =	sor.u32 $0x1C03, s24;
	[bflag:$0x0] =	sbarrier.arrive $0xFFFF;
	(pc) =	sbr.rel @p0 .LBB2_1-.Ltmp3, $4  }
0x97: {  	[hbm:s11], [sflag:s24] =	dma.local [spmem:s31], $0x2800  }
0x98: {  	_ =	swait.ge [sflag:s13], $0x2800  }
0x99: {  	[sflag:s13] =	ssyncset.done $0x0  }
0x9a: {  	[sflag:s13] =	ssyncadd.s32 $0xFFFFD800  }
0x9b: {  	_ =	sfence.sel $0x180000  }
0x9c: {  	[bflag:$0x0] =	sbarrier.arrive $0xFFFF  }
0x9d: {  	p0 =	sne.s32 s2, $0x0;
	_ =	strace $0x90000047  }
0x9e: {  	s0 =	sadd.s32 @!p0 $0x100000, s0;
	[bflag:$0x2] =	sbarrier.arrive $0xFFFF  }
0x9f: {  	[sflag:s0] =	ssyncadd.tile.s32 @!p0 $0x1;
	_ =	shalt  }
.Lfunc_end2:
_tile_overlayer_lowered:
.L_overlay_start_2:
0xa0: {  	(tag) =	ssettag $0x2  }
0xa1: {  	s0 =	rddreg [dreg:$0x0];
	s2 =	stileid.u32  }
0xa2: {  	s1 =	rddreg [dreg:$0x1];
	p0 =	sne.s32 s2, $0x0  }
0xa3: {  	s3 =	rddreg [dreg:$0x2];
	[bflag:$0x3] =	sbarrier.arrive $0xFFFF;
	s2 =	simm.s32 @!p0 $0x1C03  }
0xa4: {  	[timem:s3], [sflag:s2] =	dma.local @!p0 [hbm:s0], s1  }
0xa5: {  	s0 =	simm.s32 @!p0 $0x3  }
0xa6: {  	_ =	swait.ge @!p0 [sflag:s0], s1  }
0xa7: {  	s1 =	ssub.s32 @!p0 $0x0, s1;
	[sflag:s0] =	ssyncset.done @!p0 $0x0  }
0xa8: {  	[sflag:s0] =	ssyncadd.s32 @!p0 s1  }
0xa9: {  	[bflag:$0x3] =	sbarrier.arrive $0xFFFF  }
0xaa: {  	_ =	shalt  }

</sc_bundles>
